<compile_context>
chip_gen: v7x
topology: tpu7x:2x2x1
jax: 0.10.2.dev20260603
libtpu: 0.0.44.dev20260713+nightly
codegen_flags: <defaults>
</compile_context>

<pallas_src>
import jax
import jax.numpy as jnp
from jax import lax
from jax.experimental import pallas as pl
from jax.experimental.pallas import tpu as pltpu, tpu_sc as plsc

LEN_Q = 512
LEN_K = 2048
D_MODEL = 64
MAX_LEN = 2048

NUM_CORES = 2
NUM_SUBCORES = 16
NUM_WORKERS = NUM_CORES * NUM_SUBCORES
ROWS_PER_W = LEN_Q // NUM_WORKERS
KT = LEN_K // 128
DT = D_MODEL // 8
STAGE_COLS = 2560
STAGE_BASE = 1536


def _sc_body(pe8_hbm, out_hbm, shared, sem):
    c = lax.axis_index("c")
    s_ax = lax.axis_index("s")
    wid = s_ax * NUM_CORES + c
    base = wid * ROWS_PER_W

    @pl.when(s_ax == 0)
    def _load():
        pltpu.sync_copy(pe8_hbm, shared)

    plsc.subcore_barrier()

    def _step(q, carry):
        r = q // DT
        dt = q - r * DT
        i = base + r
        off = 512 - i
        p = lax.rem(off, 8)
        s0 = off - p
        row = p * DT + dt
        copies = [
            pltpu.make_async_copy(
                shared.at[row, :, pl.ds(pl.multiple_of(s0 + 128 * kt, 8), 128)],
                out_hbm.at[(i * DT + dt) * KT + kt],
                sem,
            )
            for kt in range(KT)
        ]
        for cp in copies:
            cp.start()
        for cp in copies:
            cp.wait()
        return carry

    lax.fori_loop(0, ROWS_PER_W * DT, _step, 0)


def kernel(relative_pe, len_q, len_k):
    del len_q, len_k
    mesh = plsc.VectorSubcoreMesh(core_axis_name="c", subcore_axis_name="s")
    run = pl.kernel(
        _sc_body,
        out_type=jax.ShapeDtypeStruct((LEN_Q * DT * KT, 8, 128), jnp.float32),
        mesh=mesh,
        scratch_types=[
            pltpu.VMEM_SHARED((8 * DT, 8, STAGE_COLS), jnp.float32),
            pltpu.SemaphoreType.DMA,
        ],
        compiler_params=pltpu.CompilerParams(use_tc_tiling_on_sc=False),
    )
    pe_t = jnp.pad(jnp.transpose(relative_pe), ((0, 0), (0, 7)))
    pe8 = jnp.stack(
        [lax.slice_in_dim(pe_t, STAGE_BASE + p, STAGE_BASE + p + STAGE_COLS, axis=1)
         for p in range(8)]
    ).reshape(8 * DT, 8, STAGE_COLS)
    out_tiles = run(pe8)
    out5 = out_tiles.reshape(LEN_Q, DT, KT, 8, 128)
    return out5.transpose(0, 2, 4, 1, 3).reshape(LEN_Q, LEN_K, D_MODEL)

# --- scband reference (transcript-rebuilt; emitter-appended) ---
"""Pipeline reference for scband-relative-position-encoding-58935541236340 (READ-ONLY COPY).

The authoritative reference and input builder live on the scoring server;
editing this copy changes nothing except your own understanding.
"""

import jax, jax.numpy as jnp
import numpy as np

MAX_LEN = 2048
D_MODEL = 64

def setup_inputs(seed: int = 0) -> dict:
    key = jax.random.key(seed)
    fan_in = MAX_LEN * 2 + 1
    fan_out = D_MODEL
    a = float(np.sqrt(6.0 / (fan_in + fan_out)))
    relative_pe = jax.random.uniform(key, (MAX_LEN * 2 + 1, D_MODEL), dtype=jnp.float32, minval=-a, maxval=a)
    return {"relative_pe": relative_pe, "len_q": 512, "len_k": 2048}

def reference(relative_pe, len_q, len_k):
    range_vec_q = jnp.arange(512) + (len_q - 512)
    range_vec_k = jnp.arange(2048) + (len_k - 2048)
    distance_mat = range_vec_k[None, :] - range_vec_q[:, None]
    distance_mat_clipped = jnp.clip(distance_mat, -MAX_LEN, MAX_LEN)
    final_mat = (distance_mat_clipped + MAX_LEN).astype(jnp.int32)
    embeddings = jnp.take(relative_pe, final_mat, axis=0)
    return embeddings

if __name__ == "__main__":
    import jax
    _d = setup_inputs()
    print(jax.jit(kernel)(*tuple(_d.values())))

</pallas_src>

<mosaic_0001>
#map = affine_map<(d0, d1) -> (0, 0, 0)>
module attributes {stable_mosaic.version = 14 : i64} {
  func.func @_sc_body(%arg0: i32, %arg1: i32, %arg2: memref<64x8x2560xf32, #tpu.memory_space<hbm>>, %arg3: memref<65536x8x128xf32, #tpu.memory_space<hbm>>, %arg4: memref<64x8x2560xf32, #tpu.memory_space<vmem_shared>>, %arg5: memref<!tpu.dma_semaphore, #tpu.memory_space<semaphore_mem>>) attributes {dimension_semantics = [#tpu.dimension_semantics<core_parallel>, #tpu.dimension_semantics<subcore_parallel>], iteration_bounds = array<i64: 2, 16>, scalar_prefetch = 0 : i64, scratch_operands = 2 : i64, tpu.core_type = #tpu.core_type<sc_vector_subcore>, window_params = [{transform_indices = #map}, {transform_indices = #map}]} {
    %mul3A = arith.constant 2 : i32
    %mul3A_0 = arith.muli %arg1, %mul3A : i32
    %add3A = arith.addi %mul3A_0, %arg0 : i32
    %mul3A_1 = arith.constant 16 : i32
    %mul3A_2 = arith.muli %add3A, %mul3A_1 : i32
    %eq3A = arith.constant 0 : i32
    %eq3A_3 = arith.cmpi eq, %arg1, %eq3A : i32
    %convert_element_type3A = arith.extui %eq3A_3 : i1 to i32
    %cond3A = arith.constant 0 : i32
    %cond3A_4 = arith.cmpi ne, %convert_element_type3A, %cond3A : i32
    scf.if %cond3A_4 {
      "tpu.region"() ({
        %run_scoped3A = tpu.sem_alloc : memref<!tpu.dma_semaphore, #tpu.memory_space<semaphore_mem>>
        tpu.enqueue_dma source(%arg2 : memref<64x8x2560xf32, #tpu.memory_space<hbm>>) target(%arg4 : memref<64x8x2560xf32, #tpu.memory_space<vmem_shared>>) target_semaphore(%run_scoped3A : memref<!tpu.dma_semaphore, #tpu.memory_space<semaphore_mem>>)
        tpu.wait_dma2 semaphore(%run_scoped3A : memref<!tpu.dma_semaphore, #tpu.memory_space<semaphore_mem>>) src(%arg2 : memref<64x8x2560xf32, #tpu.memory_space<hbm>>) dst(%arg4 : memref<64x8x2560xf32, #tpu.memory_space<vmem_shared>>)
        tpu.yield
      }) : () -> ()
    } else {
    }
    %barrier3A = arith.constant 0 : index
    tpu.barrier barrier_id(%barrier3A)
    %scan3A = arith.constant 0 : i32
    %scan3A_5 = arith.constant 0 : i32
    %scan3A_6 = arith.constant 128 : i32
    %scan3A_7 = arith.addi %scan3A_5, %scan3A_6 : i32
    %scan3A_8 = arith.constant 1 : i32
    scf.for %scan3A_10 = %scan3A_5 to %scan3A_7 step %scan3A_8  : i32 {
      %jit3A = arith.constant 8 : i32
      %div3A = arith.divsi %scan3A_10, %jit3A : i32
      %sign3A = arith.constant 0 : i32
      %sign3A_11 = arith.cmpi sgt, %scan3A_10, %sign3A : i32
      %sign3A_12 = arith.extui %sign3A_11 : i1 to i32
      %sign3A_13 = arith.constant 0 : i32
      %sign3A_14 = arith.cmpi slt, %scan3A_10, %sign3A_13 : i32
      %sign3A_15 = arith.extui %sign3A_14 : i1 to i32
      %sign3A_16 = arith.subi %sign3A_12, %sign3A_15 : i32
      %sign3A_17 = arith.constant 0 : i32
      %sign3A_18 = arith.cmpi sgt, %jit3A, %sign3A_17 : i32
      %sign3A_19 = arith.extui %sign3A_18 : i1 to i32
      %sign3A_20 = arith.constant 0 : i32
      %sign3A_21 = arith.cmpi slt, %jit3A, %sign3A_20 : i32
      %sign3A_22 = arith.extui %sign3A_21 : i1 to i32
      %sign3A_23 = arith.subi %sign3A_19, %sign3A_22 : i32
      %ne3A = arith.cmpi ne, %sign3A_16, %sign3A_23 : i32
      %rem3A = arith.remsi %scan3A_10, %jit3A : i32
      %ne3A_24 = arith.constant 0 : i32
      %ne3A_25 = arith.cmpi ne, %rem3A, %ne3A_24 : i32
      %and3A = arith.andi %ne3A, %ne3A_25 : i1
      %sub3A = arith.constant 1 : i32
      %sub3A_26 = arith.subi %div3A, %sub3A : i32
      %select_n3A = arith.select %and3A, %sub3A_26, %div3A : i32
      %mul3A_27 = arith.constant 8 : i32
      %mul3A_28 = arith.muli %select_n3A, %mul3A_27 : i32
      %sub3A_29 = arith.subi %scan3A_10, %mul3A_28 : i32
      %add3A_30 = arith.addi %mul3A_2, %select_n3A : i32
      %sub3A_31 = arith.constant 512 : i32
      %sub3A_32 = arith.subi %sub3A_31, %add3A_30 : i32
      %rem3A_33 = arith.constant 8 : i32
      %rem3A_34 = arith.remsi %sub3A_32, %rem3A_33 : i32
      %sub3A_35 = arith.subi %sub3A_32, %rem3A_34 : i32
      %mul3A_36 = arith.constant 8 : i32
      %mul3A_37 = arith.muli %rem3A_34, %mul3A_36 : i32
      %add3A_38 = arith.addi %mul3A_37, %sub3A_29 : i32
      %add3A_39 = arith.constant 0 : i32
      %add3A_40 = arith.addi %sub3A_35, %add3A_39 : i32
      %multiple_of3A = tpu.assume_multiple %add3A_40, 8 : i32
      %mul3A_41 = arith.constant 8 : i32
      %mul3A_42 = arith.muli %add3A_30, %mul3A_41 : i32
      %add3A_43 = arith.addi %mul3A_42, %sub3A_29 : i32
      %mul3A_44 = arith.constant 16 : i32
      %mul3A_45 = arith.muli %add3A_43, %mul3A_44 : i32
      %add3A_46 = arith.constant 0 : i32
      %add3A_47 = arith.addi %mul3A_45, %add3A_46 : i32
      %add3A_48 = arith.constant 128 : i32
      %add3A_49 = arith.addi %sub3A_35, %add3A_48 : i32
      %multiple_of3A_50 = tpu.assume_multiple %add3A_49, 8 : i32
      %mul3A_51 = arith.constant 8 : i32
      %mul3A_52 = arith.muli %add3A_30, %mul3A_51 : i32
      %add3A_53 = arith.addi %mul3A_52, %sub3A_29 : i32
      %mul3A_54 = arith.constant 16 : i32
      %mul3A_55 = arith.muli %add3A_53, %mul3A_54 : i32
      %add3A_56 = arith.constant 1 : i32
      %add3A_57 = arith.addi %mul3A_55, %add3A_56 : i32
      %add3A_58 = arith.constant 256 : i32
      %add3A_59 = arith.addi %sub3A_35, %add3A_58 : i32
      %multiple_of3A_60 = tpu.assume_multiple %add3A_59, 8 : i32
      %mul3A_61 = arith.constant 8 : i32
      %mul3A_62 = arith.muli %add3A_30, %mul3A_61 : i32
      %add3A_63 = arith.addi %mul3A_62, %sub3A_29 : i32
      %mul3A_64 = arith.constant 16 : i32
      %mul3A_65 = arith.muli %add3A_63, %mul3A_64 : i32
      %add3A_66 = arith.constant 2 : i32
      %add3A_67 = arith.addi %mul3A_65, %add3A_66 : i32
      %add3A_68 = arith.constant 384 : i32
      %add3A_69 = arith.addi %sub3A_35, %add3A_68 : i32
      %multiple_of3A_70 = tpu.assume_multiple %add3A_69, 8 : i32
      %mul3A_71 = arith.constant 8 : i32
      %mul3A_72 = arith.muli %add3A_30, %mul3A_71 : i32
      %add3A_73 = arith.addi %mul3A_72, %sub3A_29 : i32
      %mul3A_74 = arith.constant 16 : i32
      %mul3A_75 = arith.muli %add3A_73, %mul3A_74 : i32
      %add3A_76 = arith.constant 3 : i32
      %add3A_77 = arith.addi %mul3A_75, %add3A_76 : i32
      %add3A_78 = arith.constant 512 : i32
      %add3A_79 = arith.addi %sub3A_35, %add3A_78 : i32
      %multiple_of3A_80 = tpu.assume_multiple %add3A_79, 8 : i32
      %mul3A_81 = arith.constant 8 : i32
      %mul3A_82 = arith.muli %add3A_30, %mul3A_81 : i32
      %add3A_83 = arith.addi %mul3A_82, %sub3A_29 : i32
      %mul3A_84 = arith.constant 16 : i32
      %mul3A_85 = arith.muli %add3A_83, %mul3A_84 : i32
      %add3A_86 = arith.constant 4 : i32
      %add3A_87 = arith.addi %mul3A_85, %add3A_86 : i32
      %add3A_88 = arith.constant 640 : i32
      %add3A_89 = arith.addi %sub3A_35, %add3A_88 : i32
      %multiple_of3A_90 = tpu.assume_multiple %add3A_89, 8 : i32
      %mul3A_91 = arith.constant 8 : i32
      %mul3A_92 = arith.muli %add3A_30, %mul3A_91 : i32
      %add3A_93 = arith.addi %mul3A_92, %sub3A_29 : i32
      %mul3A_94 = arith.constant 16 : i32
      %mul3A_95 = arith.muli %add3A_93, %mul3A_94 : i32
      %add3A_96 = arith.constant 5 : i32
      %add3A_97 = arith.addi %mul3A_95, %add3A_96 : i32
      %add3A_98 = arith.constant 768 : i32
      %add3A_99 = arith.addi %sub3A_35, %add3A_98 : i32
      %multiple_of3A_100 = tpu.assume_multiple %add3A_99, 8 : i32
      %mul3A_101 = arith.constant 8 : i32
      %mul3A_102 = arith.muli %add3A_30, %mul3A_101 : i32
      %add3A_103 = arith.addi %mul3A_102, %sub3A_29 : i32
      %mul3A_104 = arith.constant 16 : i32
      %mul3A_105 = arith.muli %add3A_103, %mul3A_104 : i32
      %add3A_106 = arith.constant 6 : i32
      %add3A_107 = arith.addi %mul3A_105, %add3A_106 : i32
      %add3A_108 = arith.constant 896 : i32
      %add3A_109 = arith.addi %sub3A_35, %add3A_108 : i32
      %multiple_of3A_110 = tpu.assume_multiple %add3A_109, 8 : i32
      %mul3A_111 = arith.constant 8 : i32
      %mul3A_112 = arith.muli %add3A_30, %mul3A_111 : i32
      %add3A_113 = arith.addi %mul3A_112, %sub3A_29 : i32
      %mul3A_114 = arith.constant 16 : i32
      %mul3A_115 = arith.muli %add3A_113, %mul3A_114 : i32
      %add3A_116 = arith.constant 7 : i32
      %add3A_117 = arith.addi %mul3A_115, %add3A_116 : i32
      %add3A_118 = arith.constant 1024 : i32
      %add3A_119 = arith.addi %sub3A_35, %add3A_118 : i32
      %multiple_of3A_120 = tpu.assume_multiple %add3A_119, 8 : i32
      %mul3A_121 = arith.constant 8 : i32
      %mul3A_122 = arith.muli %add3A_30, %mul3A_121 : i32
      %add3A_123 = arith.addi %mul3A_122, %sub3A_29 : i32
      %mul3A_124 = arith.constant 16 : i32
      %mul3A_125 = arith.muli %add3A_123, %mul3A_124 : i32
      %add3A_126 = arith.constant 8 : i32
      %add3A_127 = arith.addi %mul3A_125, %add3A_126 : i32
      %add3A_128 = arith.constant 1152 : i32
      %add3A_129 = arith.addi %sub3A_35, %add3A_128 : i32
      %multiple_of3A_130 = tpu.assume_multiple %add3A_129, 8 : i32
      %mul3A_131 = arith.constant 8 : i32
      %mul3A_132 = arith.muli %add3A_30, %mul3A_131 : i32
      %add3A_133 = arith.addi %mul3A_132, %sub3A_29 : i32
      %mul3A_134 = arith.constant 16 : i32
      %mul3A_135 = arith.muli %add3A_133, %mul3A_134 : i32
      %add3A_136 = arith.constant 9 : i32
      %add3A_137 = arith.addi %mul3A_135, %add3A_136 : i32
      %add3A_138 = arith.constant 1280 : i32
      %add3A_139 = arith.addi %sub3A_35, %add3A_138 : i32
      %multiple_of3A_140 = tpu.assume_multiple %add3A_139, 8 : i32
      %mul3A_141 = arith.constant 8 : i32
      %mul3A_142 = arith.muli %add3A_30, %mul3A_141 : i32
      %add3A_143 = arith.addi %mul3A_142, %sub3A_29 : i32
      %mul3A_144 = arith.constant 16 : i32
      %mul3A_145 = arith.muli %add3A_143, %mul3A_144 : i32
      %add3A_146 = arith.constant 10 : i32
      %add3A_147 = arith.addi %mul3A_145, %add3A_146 : i32
      %add3A_148 = arith.constant 1408 : i32
      %add3A_149 = arith.addi %sub3A_35, %add3A_148 : i32
      %multiple_of3A_150 = tpu.assume_multiple %add3A_149, 8 : i32
      %mul3A_151 = arith.constant 8 : i32
      %mul3A_152 = arith.muli %add3A_30, %mul3A_151 : i32
      %add3A_153 = arith.addi %mul3A_152, %sub3A_29 : i32
      %mul3A_154 = arith.constant 16 : i32
      %mul3A_155 = arith.muli %add3A_153, %mul3A_154 : i32
      %add3A_156 = arith.constant 11 : i32
      %add3A_157 = arith.addi %mul3A_155, %add3A_156 : i32
      %add3A_158 = arith.constant 1536 : i32
      %add3A_159 = arith.addi %sub3A_35, %add3A_158 : i32
      %multiple_of3A_160 = tpu.assume_multiple %add3A_159, 8 : i32
      %mul3A_161 = arith.constant 8 : i32
      %mul3A_162 = arith.muli %add3A_30, %mul3A_161 : i32
      %add3A_163 = arith.addi %mul3A_162, %sub3A_29 : i32
      %mul3A_164 = arith.constant 16 : i32
      %mul3A_165 = arith.muli %add3A_163, %mul3A_164 : i32
      %add3A_166 = arith.constant 12 : i32
      %add3A_167 = arith.addi %mul3A_165, %add3A_166 : i32
      %add3A_168 = arith.constant 1664 : i32
      %add3A_169 = arith.addi %sub3A_35, %add3A_168 : i32
      %multiple_of3A_170 = tpu.assume_multiple %add3A_169, 8 : i32
      %mul3A_171 = arith.constant 8 : i32
      %mul3A_172 = arith.muli %add3A_30, %mul3A_171 : i32
      %add3A_173 = arith.addi %mul3A_172, %sub3A_29 : i32
      %mul3A_174 = arith.constant 16 : i32
      %mul3A_175 = arith.muli %add3A_173, %mul3A_174 : i32
      %add3A_176 = arith.constant 13 : i32
      %add3A_177 = arith.addi %mul3A_175, %add3A_176 : i32
      %add3A_178 = arith.constant 1792 : i32
      %add3A_179 = arith.addi %sub3A_35, %add3A_178 : i32
      %multiple_of3A_180 = tpu.assume_multiple %add3A_179, 8 : i32
      %mul3A_181 = arith.constant 8 : i32
      %mul3A_182 = arith.muli %add3A_30, %mul3A_181 : i32
      %add3A_183 = arith.addi %mul3A_182, %sub3A_29 : i32
      %mul3A_184 = arith.constant 16 : i32
      %mul3A_185 = arith.muli %add3A_183, %mul3A_184 : i32
      %add3A_186 = arith.constant 14 : i32
      %add3A_187 = arith.addi %mul3A_185, %add3A_186 : i32
      %add3A_188 = arith.constant 1920 : i32
      %add3A_189 = arith.addi %sub3A_35, %add3A_188 : i32
      %multiple_of3A_190 = tpu.assume_multiple %add3A_189, 8 : i32
      %mul3A_191 = arith.constant 8 : i32
      %mul3A_192 = arith.muli %add3A_30, %mul3A_191 : i32
      %add3A_193 = arith.addi %mul3A_192, %sub3A_29 : i32
      %mul3A_194 = arith.constant 16 : i32
      %mul3A_195 = arith.muli %add3A_193, %mul3A_194 : i32
      %add3A_196 = arith.constant 15 : i32
      %add3A_197 = arith.addi %mul3A_195, %add3A_196 : i32
      %dma_start3A = arith.constant 0 : i32
      %dma_start3A_198 = arith.constant 0 : i32
      %dma_start3A_199 = tpu.memref_slice %arg3[%add3A_47, %dma_start3A, %dma_start3A_198] : memref<65536x8x128xf32, #tpu.memory_space<hbm>> -> memref<1x8x128xf32, #tpu.memory_space<hbm>>
      %dma_start3A_200 = tpu.memref_squeeze %dma_start3A_199 : memref<1x8x128xf32, #tpu.memory_space<hbm>> -> memref<8x128xf32, #tpu.memory_space<hbm>>
      %dma_start3A_201 = arith.constant 0 : i32
      %dma_start3A_202 = tpu.memref_slice %arg4[%add3A_38, %dma_start3A_201, %multiple_of3A] : memref<64x8x2560xf32, #tpu.memory_space<vmem_shared>> -> memref<1x8x128xf32, #tpu.memory_space<vmem_shared>>
      %dma_start3A_203 = tpu.memref_squeeze %dma_start3A_202 : memref<1x8x128xf32, #tpu.memory_space<vmem_shared>> -> memref<8x128xf32, #tpu.memory_space<vmem_shared>>
      tpu.enqueue_dma source(%dma_start3A_203 : memref<8x128xf32, #tpu.memory_space<vmem_shared>>) target(%dma_start3A_200 : memref<8x128xf32, #tpu.memory_space<hbm>>) target_semaphore(%arg5 : memref<!tpu.dma_semaphore, #tpu.memory_space<semaphore_mem>>)
      %dma_start3A_204 = arith.constant 0 : i32
      %dma_start3A_205 = arith.constant 0 : i32
      %dma_start3A_206 = tpu.memref_slice %arg3[%add3A_57, %dma_start3A_204, %dma_start3A_205] : memref<65536x8x128xf32, #tpu.memory_space<hbm>> -> memref<1x8x128xf32, #tpu.memory_space<hbm>>
      %dma_start3A_207 = tpu.memref_squeeze %dma_start3A_206 : memref<1x8x128xf32, #tpu.memory_space<hbm>> -> memref<8x128xf32, #tpu.memory_space<hbm>>
      %dma_start3A_208 = arith.constant 0 : i32
      %dma_start3A_209 = tpu.memref_slice %arg4[%add3A_38, %dma_start3A_208, %multiple_of3A_50] : memref<64x8x2560xf32, #tpu.memory_space<vmem_shared>> -> memref<1x8x128xf32, #tpu.memory_space<vmem_shared>>
      %dma_start3A_210 = tpu.memref_squeeze %dma_start3A_209 : memref<1x8x128xf32, #tpu.memory_space<vmem_shared>> -> memref<8x128xf32, #tpu.memory_space<vmem_shared>>
      tpu.enqueue_dma source(%dma_start3A_210 : memref<8x128xf32, #tpu.memory_space<vmem_shared>>) target(%dma_start3A_207 : memref<8x128xf32, #tpu.memory_space<hbm>>) target_semaphore(%arg5 : memref<!tpu.dma_semaphore, #tpu.memory_space<semaphore_mem>>)
      %dma_start3A_211 = arith.constant 0 : i32
      %dma_start3A_212 = arith.constant 0 : i32
      %dma_start3A_213 = tpu.memref_slice %arg3[%add3A_67, %dma_start3A_211, %dma_start3A_212] : memref<65536x8x128xf32, #tpu.memory_space<hbm>> -> memref<1x8x128xf32, #tpu.memory_space<hbm>>
      %dma_start3A_214 = tpu.memref_squeeze %dma_start3A_213 : memref<1x8x128xf32, #tpu.memory_space<hbm>> -> memref<8x128xf32, #tpu.memory_space<hbm>>
      %dma_start3A_215 = arith.constant 0 : i32
      %dma_start3A_216 = tpu.memref_slice %arg4[%add3A_38, %dma_start3A_215, %multiple_of3A_60] : memref<64x8x2560xf32, #tpu.memory_space<vmem_shared>> -> memref<1x8x128xf32, #tpu.memory_space<vmem_shared>>
      %dma_start3A_217 = tpu.memref_squeeze %dma_start3A_216 : memref<1x8x128xf32, #tpu.memory_space<vmem_shared>> -> memref<8x128xf32, #tpu.memory_space<vmem_shared>>
      tpu.enqueue_dma source(%dma_start3A_217 : memref<8x128xf32, #tpu.memory_space<vmem_shared>>) target(%dma_start3A_214 : memref<8x128xf32, #tpu.memory_space<hbm>>) target_semaphore(%arg5 : memref<!tpu.dma_semaphore, #tpu.memory_space<semaphore_mem>>)
      %dma_start3A_218 = arith.constant 0 : i32
      %dma_start3A_219 = arith.constant 0 : i32
      %dma_start3A_220 = tpu.memref_slice %arg3[%add3A_77, %dma_start3A_218, %dma_start3A_219] : memref<65536x8x128xf32, #tpu.memory_space<hbm>> -> memref<1x8x128xf32, #tpu.memory_space<hbm>>
      %dma_start3A_221 = tpu.memref_squeeze %dma_start3A_220 : memref<1x8x128xf32, #tpu.memory_space<hbm>> -> memref<8x128xf32, #tpu.memory_space<hbm>>
      %dma_start3A_222 = arith.constant 0 : i32
      %dma_start3A_223 = tpu.memref_slice %arg4[%add3A_38, %dma_start3A_222, %multiple_of3A_70] : memref<64x8x2560xf32, #tpu.memory_space<vmem_shared>> -> memref<1x8x128xf32, #tpu.memory_space<vmem_shared>>
      %dma_start3A_224 = tpu.memref_squeeze %dma_start3A_223 : memref<1x8x128xf32, #tpu.memory_space<vmem_shared>> -> memref<8x128xf32, #tpu.memory_space<vmem_shared>>
      tpu.enqueue_dma source(%dma_start3A_224 : memref<8x128xf32, #tpu.memory_space<vmem_shared>>) target(%dma_start3A_221 : memref<8x128xf32, #tpu.memory_space<hbm>>) target_semaphore(%arg5 : memref<!tpu.dma_semaphore, #tpu.memory_space<semaphore_mem>>)
      %dma_start3A_225 = arith.constant 0 : i32
      %dma_start3A_226 = arith.constant 0 : i32
      %dma_start3A_227 = tpu.memref_slice %arg3[%add3A_87, %dma_start3A_225, %dma_start3A_226] : memref<65536x8x128xf32, #tpu.memory_space<hbm>> -> memref<1x8x128xf32, #tpu.memory_space<hbm>>
      %dma_start3A_228 = tpu.memref_squeeze %dma_start3A_227 : memref<1x8x128xf32, #tpu.memory_space<hbm>> -> memref<8x128xf32, #tpu.memory_space<hbm>>
      %dma_start3A_229 = arith.constant 0 : i32
      %dma_start3A_230 = tpu.memref_slice %arg4[%add3A_38, %dma_start3A_229, %multiple_of3A_80] : memref<64x8x2560xf32, #tpu.memory_space<vmem_shared>> -> memref<1x8x128xf32, #tpu.memory_space<vmem_shared>>
      %dma_start3A_231 = tpu.memref_squeeze %dma_start3A_230 : memref<1x8x128xf32, #tpu.memory_space<vmem_shared>> -> memref<8x128xf32, #tpu.memory_space<vmem_shared>>
      tpu.enqueue_dma source(%dma_start3A_231 : memref<8x128xf32, #tpu.memory_space<vmem_shared>>) target(%dma_start3A_228 : memref<8x128xf32, #tpu.memory_space<hbm>>) target_semaphore(%arg5 : memref<!tpu.dma_semaphore, #tpu.memory_space<semaphore_mem>>)
      %dma_start3A_232 = arith.constant 0 : i32
      %dma_start3A_233 = arith.constant 0 : i32
      %dma_start3A_234 = tpu.memref_slice %arg3[%add3A_97, %dma_start3A_232, %dma_start3A_233] : memref<65536x8x128xf32, #tpu.memory_space<hbm>> -> memref<1x8x128xf32, #tpu.memory_space<hbm>>
      %dma_start3A_235 = tpu.memref_squeeze %dma_start3A_234 : memref<1x8x128xf32, #tpu.memory_space<hbm>> -> memref<8x128xf32, #tpu.memory_space<hbm>>
      %dma_start3A_236 = arith.constant 0 : i32
      %dma_start3A_237 = tpu.memref_slice %arg4[%add3A_38, %dma_start3A_236, %multiple_of3A_90] : memref<64x8x2560xf32, #tpu.memory_space<vmem_shared>> -> memref<1x8x128xf32, #tpu.memory_space<vmem_shared>>
      %dma_start3A_238 = tpu.memref_squeeze %dma_start3A_237 : memref<1x8x128xf32, #tpu.memory_space<vmem_shared>> -> memref<8x128xf32, #tpu.memory_space<vmem_shared>>
      tpu.enqueue_dma source(%dma_start3A_238 : memref<8x128xf32, #tpu.memory_space<vmem_shared>>) target(%dma_start3A_235 : memref<8x128xf32, #tpu.memory_space<hbm>>) target_semaphore(%arg5 : memref<!tpu.dma_semaphore, #tpu.memory_space<semaphore_mem>>)
      %dma_start3A_239 = arith.constant 0 : i32
      %dma_start3A_240 = arith.constant 0 : i32
      %dma_start3A_241 = tpu.memref_slice %arg3[%add3A_107, %dma_start3A_239, %dma_start3A_240] : memref<65536x8x128xf32, #tpu.memory_space<hbm>> -> memref<1x8x128xf32, #tpu.memory_space<hbm>>
      %dma_start3A_242 = tpu.memref_squeeze %dma_start3A_241 : memref<1x8x128xf32, #tpu.memory_space<hbm>> -> memref<8x128xf32, #tpu.memory_space<hbm>>
      %dma_start3A_243 = arith.constant 0 : i32
      %dma_start3A_244 = tpu.memref_slice %arg4[%add3A_38, %dma_start3A_243, %multiple_of3A_100] : memref<64x8x2560xf32, #tpu.memory_space<vmem_shared>> -> memref<1x8x128xf32, #tpu.memory_space<vmem_shared>>
      %dma_start3A_245 = tpu.memref_squeeze %dma_start3A_244 : memref<1x8x128xf32, #tpu.memory_space<vmem_shared>> -> memref<8x128xf32, #tpu.memory_space<vmem_shared>>
      tpu.enqueue_dma source(%dma_start3A_245 : memref<8x128xf32, #tpu.memory_space<vmem_shared>>) target(%dma_start3A_242 : memref<8x128xf32, #tpu.memory_space<hbm>>) target_semaphore(%arg5 : memref<!tpu.dma_semaphore, #tpu.memory_space<semaphore_mem>>)
      %dma_start3A_246 = arith.constant 0 : i32
      %dma_start3A_247 = arith.constant 0 : i32
      %dma_start3A_248 = tpu.memref_slice %arg3[%add3A_117, %dma_start3A_246, %dma_start3A_247] : memref<65536x8x128xf32, #tpu.memory_space<hbm>> -> memref<1x8x128xf32, #tpu.memory_space<hbm>>
      %dma_start3A_249 = tpu.memref_squeeze %dma_start3A_248 : memref<1x8x128xf32, #tpu.memory_space<hbm>> -> memref<8x128xf32, #tpu.memory_space<hbm>>
      %dma_start3A_250 = arith.constant 0 : i32
      %dma_start3A_251 = tpu.memref_slice %arg4[%add3A_38, %dma_start3A_250, %multiple_of3A_110] : memref<64x8x2560xf32, #tpu.memory_space<vmem_shared>> -> memref<1x8x128xf32, #tpu.memory_space<vmem_shared>>
      %dma_start3A_252 = tpu.memref_squeeze %dma_start3A_251 : memref<1x8x128xf32, #tpu.memory_space<vmem_shared>> -> memref<8x128xf32, #tpu.memory_space<vmem_shared>>
      tpu.enqueue_dma source(%dma_start3A_252 : memref<8x128xf32, #tpu.memory_space<vmem_shared>>) target(%dma_start3A_249 : memref<8x128xf32, #tpu.memory_space<hbm>>) target_semaphore(%arg5 : memref<!tpu.dma_semaphore, #tpu.memory_space<semaphore_mem>>)
      %dma_start3A_253 = arith.constant 0 : i32
      %dma_start3A_254 = arith.constant 0 : i32
      %dma_start3A_255 = tpu.memref_slice %arg3[%add3A_127, %dma_start3A_253, %dma_start3A_254] : memref<65536x8x128xf32, #tpu.memory_space<hbm>> -> memref<1x8x128xf32, #tpu.memory_space<hbm>>
      %dma_start3A_256 = tpu.memref_squeeze %dma_start3A_255 : memref<1x8x128xf32, #tpu.memory_space<hbm>> -> memref<8x128xf32, #tpu.memory_space<hbm>>
      %dma_start3A_257 = arith.constant 0 : i32
      %dma_start3A_258 = tpu.memref_slice %arg4[%add3A_38, %dma_start3A_257, %multiple_of3A_120] : memref<64x8x2560xf32, #tpu.memory_space<vmem_shared>> -> memref<1x8x128xf32, #tpu.memory_space<vmem_shared>>
      %dma_start3A_259 = tpu.memref_squeeze %dma_start3A_258 : memref<1x8x128xf32, #tpu.memory_space<vmem_shared>> -> memref<8x128xf32, #tpu.memory_space<vmem_shared>>
      tpu.enqueue_dma source(%dma_start3A_259 : memref<8x128xf32, #tpu.memory_space<vmem_shared>>) target(%dma_start3A_256 : memref<8x128xf32, #tpu.memory_space<hbm>>) target_semaphore(%arg5 : memref<!tpu.dma_semaphore, #tpu.memory_space<semaphore_mem>>)
      %dma_start3A_260 = arith.constant 0 : i32
      %dma_start3A_261 = arith.constant 0 : i32
      %dma_start3A_262 = tpu.memref_slice %arg3[%add3A_137, %dma_start3A_260, %dma_start3A_261] : memref<65536x8x128xf32, #tpu.memory_space<hbm>> -> memref<1x8x128xf32, #tpu.memory_space<hbm>>
      %dma_start3A_263 = tpu.memref_squeeze %dma_start3A_262 : memref<1x8x128xf32, #tpu.memory_space<hbm>> -> memref<8x128xf32, #tpu.memory_space<hbm>>
      %dma_start3A_264 = arith.constant 0 : i32
      %dma_start3A_265 = tpu.memref_slice %arg4[%add3A_38, %dma_start3A_264, %multiple_of3A_130] : memref<64x8x2560xf32, #tpu.memory_space<vmem_shared>> -> memref<1x8x128xf32, #tpu.memory_space<vmem_shared>>
      %dma_start3A_266 = tpu.memref_squeeze %dma_start3A_265 : memref<1x8x128xf32, #tpu.memory_space<vmem_shared>> -> memref<8x128xf32, #tpu.memory_space<vmem_shared>>
      tpu.enqueue_dma source(%dma_start3A_266 : memref<8x128xf32, #tpu.memory_space<vmem_shared>>) target(%dma_start3A_263 : memref<8x128xf32, #tpu.memory_space<hbm>>) target_semaphore(%arg5 : memref<!tpu.dma_semaphore, #tpu.memory_space<semaphore_mem>>)
      %dma_start3A_267 = arith.constant 0 : i32
      %dma_start3A_268 = arith.constant 0 : i32
      %dma_start3A_269 = tpu.memref_slice %arg3[%add3A_147, %dma_start3A_267, %dma_start3A_268] : memref<65536x8x128xf32, #tpu.memory_space<hbm>> -> memref<1x8x128xf32, #tpu.memory_space<hbm>>
      %dma_start3A_270 = tpu.memref_squeeze %dma_start3A_269 : memref<1x8x128xf32, #tpu.memory_space<hbm>> -> memref<8x128xf32, #tpu.memory_space<hbm>>
      %dma_start3A_271 = arith.constant 0 : i32
      %dma_start3A_272 = tpu.memref_slice %arg4[%add3A_38, %dma_start3A_271, %multiple_of3A_140] : memref<64x8x2560xf32, #tpu.memory_space<vmem_shared>> -> memref<1x8x128xf32, #tpu.memory_space<vmem_shared>>
      %dma_start3A_273 = tpu.memref_squeeze %dma_start3A_272 : memref<1x8x128xf32, #tpu.memory_space<vmem_shared>> -> memref<8x128xf32, #tpu.memory_space<vmem_shared>>
      tpu.enqueue_dma source(%dma_start3A_273 : memref<8x128xf32, #tpu.memory_space<vmem_shared>>) target(%dma_start3A_270 : memref<8x128xf32, #tpu.memory_space<hbm>>) target_semaphore(%arg5 : memref<!tpu.dma_semaphore, #tpu.memory_space<semaphore_mem>>)
      %dma_start3A_274 = arith.constant 0 : i32
      %dma_start3A_275 = arith.constant 0 : i32
      %dma_start3A_276 = tpu.memref_slice %arg3[%add3A_157, %dma_start3A_274, %dma_start3A_275] : memref<65536x8x128xf32, #tpu.memory_space<hbm>> -> memref<1x8x128xf32, #tpu.memory_space<hbm>>
      %dma_start3A_277 = tpu.memref_squeeze %dma_start3A_276 : memref<1x8x128xf32, #tpu.memory_space<hbm>> -> memref<8x128xf32, #tpu.memory_space<hbm>>
      %dma_start3A_278 = arith.constant 0 : i32
      %dma_start3A_279 = tpu.memref_slice %arg4[%add3A_38, %dma_start3A_278, %multiple_of3A_150] : memref<64x8x2560xf32, #tpu.memory_space<vmem_shared>> -> memref<1x8x128xf32, #tpu.memory_space<vmem_shared>>
      %dma_start3A_280 = tpu.memref_squeeze %dma_start3A_279 : memref<1x8x128xf32, #tpu.memory_space<vmem_shared>> -> memref<8x128xf32, #tpu.memory_space<vmem_shared>>
      tpu.enqueue_dma source(%dma_start3A_280 : memref<8x128xf32, #tpu.memory_space<vmem_shared>>) target(%dma_start3A_277 : memref<8x128xf32, #tpu.memory_space<hbm>>) target_semaphore(%arg5 : memref<!tpu.dma_semaphore, #tpu.memory_space<semaphore_mem>>)
      %dma_start3A_281 = arith.constant 0 : i32
      %dma_start3A_282 = arith.constant 0 : i32
      %dma_start3A_283 = tpu.memref_slice %arg3[%add3A_167, %dma_start3A_281, %dma_start3A_282] : memref<65536x8x128xf32, #tpu.memory_space<hbm>> -> memref<1x8x128xf32, #tpu.memory_space<hbm>>
      %dma_start3A_284 = tpu.memref_squeeze %dma_start3A_283 : memref<1x8x128xf32, #tpu.memory_space<hbm>> -> memref<8x128xf32, #tpu.memory_space<hbm>>
      %dma_start3A_285 = arith.constant 0 : i32
      %dma_start3A_286 = tpu.memref_slice %arg4[%add3A_38, %dma_start3A_285, %multiple_of3A_160] : memref<64x8x2560xf32, #tpu.memory_space<vmem_shared>> -> memref<1x8x128xf32, #tpu.memory_space<vmem_shared>>
      %dma_start3A_287 = tpu.memref_squeeze %dma_start3A_286 : memref<1x8x128xf32, #tpu.memory_space<vmem_shared>> -> memref<8x128xf32, #tpu.memory_space<vmem_shared>>
      tpu.enqueue_dma source(%dma_start3A_287 : memref<8x128xf32, #tpu.memory_space<vmem_shared>>) target(%dma_start3A_284 : memref<8x128xf32, #tpu.memory_space<hbm>>) target_semaphore(%arg5 : memref<!tpu.dma_semaphore, #tpu.memory_space<semaphore_mem>>)
      %dma_start3A_288 = arith.constant 0 : i32
      %dma_start3A_289 = arith.constant 0 : i32
      %dma_start3A_290 = tpu.memref_slice %arg3[%add3A_177, %dma_start3A_288, %dma_start3A_289] : memref<65536x8x128xf32, #tpu.memory_space<hbm>> -> memref<1x8x128xf32, #tpu.memory_space<hbm>>
      %dma_start3A_291 = tpu.memref_squeeze %dma_start3A_290 : memref<1x8x128xf32, #tpu.memory_space<hbm>> -> memref<8x128xf32, #tpu.memory_space<hbm>>
      %dma_start3A_292 = arith.constant 0 : i32
      %dma_start3A_293 = tpu.memref_slice %arg4[%add3A_38, %dma_start3A_292, %multiple_of3A_170] : memref<64x8x2560xf32, #tpu.memory_space<vmem_shared>> -> memref<1x8x128xf32, #tpu.memory_space<vmem_shared>>
      %dma_start3A_294 = tpu.memref_squeeze %dma_start3A_293 : memref<1x8x128xf32, #tpu.memory_space<vmem_shared>> -> memref<8x128xf32, #tpu.memory_space<vmem_shared>>
      tpu.enqueue_dma source(%dma_start3A_294 : memref<8x128xf32, #tpu.memory_space<vmem_shared>>) target(%dma_start3A_291 : memref<8x128xf32, #tpu.memory_space<hbm>>) target_semaphore(%arg5 : memref<!tpu.dma_semaphore, #tpu.memory_space<semaphore_mem>>)
      %dma_start3A_295 = arith.constant 0 : i32
      %dma_start3A_296 = arith.constant 0 : i32
      %dma_start3A_297 = tpu.memref_slice %arg3[%add3A_187, %dma_start3A_295, %dma_start3A_296] : memref<65536x8x128xf32, #tpu.memory_space<hbm>> -> memref<1x8x128xf32, #tpu.memory_space<hbm>>
      %dma_start3A_298 = tpu.memref_squeeze %dma_start3A_297 : memref<1x8x128xf32, #tpu.memory_space<hbm>> -> memref<8x128xf32, #tpu.memory_space<hbm>>
      %dma_start3A_299 = arith.constant 0 : i32
      %dma_start3A_300 = tpu.memref_slice %arg4[%add3A_38, %dma_start3A_299, %multiple_of3A_180] : memref<64x8x2560xf32, #tpu.memory_space<vmem_shared>> -> memref<1x8x128xf32, #tpu.memory_space<vmem_shared>>
      %dma_start3A_301 = tpu.memref_squeeze %dma_start3A_300 : memref<1x8x128xf32, #tpu.memory_space<vmem_shared>> -> memref<8x128xf32, #tpu.memory_space<vmem_shared>>
      tpu.enqueue_dma source(%dma_start3A_301 : memref<8x128xf32, #tpu.memory_space<vmem_shared>>) target(%dma_start3A_298 : memref<8x128xf32, #tpu.memory_space<hbm>>) target_semaphore(%arg5 : memref<!tpu.dma_semaphore, #tpu.memory_space<semaphore_mem>>)
      %dma_start3A_302 = arith.constant 0 : i32
      %dma_start3A_303 = arith.constant 0 : i32
      %dma_start3A_304 = tpu.memref_slice %arg3[%add3A_197, %dma_start3A_302, %dma_start3A_303] : memref<65536x8x128xf32, #tpu.memory_space<hbm>> -> memref<1x8x128xf32, #tpu.memory_space<hbm>>
      %dma_start3A_305 = tpu.memref_squeeze %dma_start3A_304 : memref<1x8x128xf32, #tpu.memory_space<hbm>> -> memref<8x128xf32, #tpu.memory_space<hbm>>
      %dma_start3A_306 = arith.constant 0 : i32
      %dma_start3A_307 = tpu.memref_slice %arg4[%add3A_38, %dma_start3A_306, %multiple_of3A_190] : memref<64x8x2560xf32, #tpu.memory_space<vmem_shared>> -> memref<1x8x128xf32, #tpu.memory_space<vmem_shared>>
      %dma_start3A_308 = tpu.memref_squeeze %dma_start3A_307 : memref<1x8x128xf32, #tpu.memory_space<vmem_shared>> -> memref<8x128xf32, #tpu.memory_space<vmem_shared>>
      tpu.enqueue_dma source(%dma_start3A_308 : memref<8x128xf32, #tpu.memory_space<vmem_shared>>) target(%dma_start3A_305 : memref<8x128xf32, #tpu.memory_space<hbm>>) target_semaphore(%arg5 : memref<!tpu.dma_semaphore, #tpu.memory_space<semaphore_mem>>)
      %dma_wait3A = arith.constant 0 : i32
      %dma_wait3A_309 = arith.constant 0 : i32
      %dma_wait3A_310 = tpu.memref_slice %arg3[%add3A_47, %dma_wait3A, %dma_wait3A_309] : memref<65536x8x128xf32, #tpu.memory_space<hbm>> -> memref<1x8x128xf32, #tpu.memory_space<hbm>>
      %dma_wait3A_311 = tpu.memref_squeeze %dma_wait3A_310 : memref<1x8x128xf32, #tpu.memory_space<hbm>> -> memref<8x128xf32, #tpu.memory_space<hbm>>
      %dma_wait3A_312 = arith.constant 0 : i32
      %dma_wait3A_313 = tpu.memref_slice %arg4[%add3A_38, %dma_wait3A_312, %multiple_of3A] : memref<64x8x2560xf32, #tpu.memory_space<vmem_shared>> -> memref<1x8x128xf32, #tpu.memory_space<vmem_shared>>
      %dma_wait3A_314 = tpu.memref_squeeze %dma_wait3A_313 : memref<1x8x128xf32, #tpu.memory_space<vmem_shared>> -> memref<8x128xf32, #tpu.memory_space<vmem_shared>>
      tpu.wait_dma2 semaphore(%arg5 : memref<!tpu.dma_semaphore, #tpu.memory_space<semaphore_mem>>) src(%dma_wait3A_314 : memref<8x128xf32, #tpu.memory_space<vmem_shared>>) dst(%dma_wait3A_311 : memref<8x128xf32, #tpu.memory_space<hbm>>)
      %dma_wait3A_315 = arith.constant 0 : i32
      %dma_wait3A_316 = arith.constant 0 : i32
      %dma_wait3A_317 = tpu.memref_slice %arg3[%add3A_57, %dma_wait3A_315, %dma_wait3A_316] : memref<65536x8x128xf32, #tpu.memory_space<hbm>> -> memref<1x8x128xf32, #tpu.memory_space<hbm>>
      %dma_wait3A_318 = tpu.memref_squeeze %dma_wait3A_317 : memref<1x8x128xf32, #tpu.memory_space<hbm>> -> memref<8x128xf32, #tpu.memory_space<hbm>>
      %dma_wait3A_319 = arith.constant 0 : i32
      %dma_wait3A_320 = tpu.memref_slice %arg4[%add3A_38, %dma_wait3A_319, %multiple_of3A_50] : memref<64x8x2560xf32, #tpu.memory_space<vmem_shared>> -> memref<1x8x128xf32, #tpu.memory_space<vmem_shared>>
      %dma_wait3A_321 = tpu.memref_squeeze %dma_wait3A_320 : memref<1x8x128xf32, #tpu.memory_space<vmem_shared>> -> memref<8x128xf32, #tpu.memory_space<vmem_shared>>
      tpu.wait_dma2 semaphore(%arg5 : memref<!tpu.dma_semaphore, #tpu.memory_space<semaphore_mem>>) src(%dma_wait3A_321 : memref<8x128xf32, #tpu.memory_space<vmem_shared>>) dst(%dma_wait3A_318 : memref<8x128xf32, #tpu.memory_space<hbm>>)
      %dma_wait3A_322 = arith.constant 0 : i32
      %dma_wait3A_323 = arith.constant 0 : i32
      %dma_wait3A_324 = tpu.memref_slice %arg3[%add3A_67, %dma_wait3A_322, %dma_wait3A_323] : memref<65536x8x128xf32, #tpu.memory_space<hbm>> -> memref<1x8x128xf32, #tpu.memory_space<hbm>>
      %dma_wait3A_325 = tpu.memref_squeeze %dma_wait3A_324 : memref<1x8x128xf32, #tpu.memory_space<hbm>> -> memref<8x128xf32, #tpu.memory_space<hbm>>
      %dma_wait3A_326 = arith.constant 0 : i32
      %dma_wait3A_327 = tpu.memref_slice %arg4[%add3A_38, %dma_wait3A_326, %multiple_of3A_60] : memref<64x8x2560xf32, #tpu.memory_space<vmem_shared>> -> memref<1x8x128xf32, #tpu.memory_space<vmem_shared>>
      %dma_wait3A_328 = tpu.memref_squeeze %dma_wait3A_327 : memref<1x8x128xf32, #tpu.memory_space<vmem_shared>> -> memref<8x128xf32, #tpu.memory_space<vmem_shared>>
      tpu.wait_dma2 semaphore(%arg5 : memref<!tpu.dma_semaphore, #tpu.memory_space<semaphore_mem>>) src(%dma_wait3A_328 : memref<8x128xf32, #tpu.memory_space<vmem_shared>>) dst(%dma_wait3A_325 : memref<8x128xf32, #tpu.memory_space<hbm>>)
      %dma_wait3A_329 = arith.constant 0 : i32
      %dma_wait3A_330 = arith.constant 0 : i32
      %dma_wait3A_331 = tpu.memref_slice %arg3[%add3A_77, %dma_wait3A_329, %dma_wait3A_330] : memref<65536x8x128xf32, #tpu.memory_space<hbm>> -> memref<1x8x128xf32, #tpu.memory_space<hbm>>
      %dma_wait3A_332 = tpu.memref_squeeze %dma_wait3A_331 : memref<1x8x128xf32, #tpu.memory_space<hbm>> -> memref<8x128xf32, #tpu.memory_space<hbm>>
      %dma_wait3A_333 = arith.constant 0 : i32
      %dma_wait3A_334 = tpu.memref_slice %arg4[%add3A_38, %dma_wait3A_333, %multiple_of3A_70] : memref<64x8x2560xf32, #tpu.memory_space<vmem_shared>> -> memref<1x8x128xf32, #tpu.memory_space<vmem_shared>>
      %dma_wait3A_335 = tpu.memref_squeeze %dma_wait3A_334 : memref<1x8x128xf32, #tpu.memory_space<vmem_shared>> -> memref<8x128xf32, #tpu.memory_space<vmem_shared>>
      tpu.wait_dma2 semaphore(%arg5 : memref<!tpu.dma_semaphore, #tpu.memory_space<semaphore_mem>>) src(%dma_wait3A_335 : memref<8x128xf32, #tpu.memory_space<vmem_shared>>) dst(%dma_wait3A_332 : memref<8x128xf32, #tpu.memory_space<hbm>>)
      %dma_wait3A_336 = arith.constant 0 : i32
      %dma_wait3A_337 = arith.constant 0 : i32
      %dma_wait3A_338 = tpu.memref_slice %arg3[%add3A_87, %dma_wait3A_336, %dma_wait3A_337] : memref<65536x8x128xf32, #tpu.memory_space<hbm>> -> memref<1x8x128xf32, #tpu.memory_space<hbm>>
      %dma_wait3A_339 = tpu.memref_squeeze %dma_wait3A_338 : memref<1x8x128xf32, #tpu.memory_space<hbm>> -> memref<8x128xf32, #tpu.memory_space<hbm>>
      %dma_wait3A_340 = arith.constant 0 : i32
      %dma_wait3A_341 = tpu.memref_slice %arg4[%add3A_38, %dma_wait3A_340, %multiple_of3A_80] : memref<64x8x2560xf32, #tpu.memory_space<vmem_shared>> -> memref<1x8x128xf32, #tpu.memory_space<vmem_shared>>
      %dma_wait3A_342 = tpu.memref_squeeze %dma_wait3A_341 : memref<1x8x128xf32, #tpu.memory_space<vmem_shared>> -> memref<8x128xf32, #tpu.memory_space<vmem_shared>>
      tpu.wait_dma2 semaphore(%arg5 : memref<!tpu.dma_semaphore, #tpu.memory_space<semaphore_mem>>) src(%dma_wait3A_342 : memref<8x128xf32, #tpu.memory_space<vmem_shared>>) dst(%dma_wait3A_339 : memref<8x128xf32, #tpu.memory_space<hbm>>)
      %dma_wait3A_343 = arith.constant 0 : i32
      %dma_wait3A_344 = arith.constant 0 : i32
      %dma_wait3A_345 = tpu.memref_slice %arg3[%add3A_97, %dma_wait3A_343, %dma_wait3A_344] : memref<65536x8x128xf32, #tpu.memory_space<hbm>> -> memref<1x8x128xf32, #tpu.memory_space<hbm>>
      %dma_wait3A_346 = tpu.memref_squeeze %dma_wait3A_345 : memref<1x8x128xf32, #tpu.memory_space<hbm>> -> memref<8x128xf32, #tpu.memory_space<hbm>>
      %dma_wait3A_347 = arith.constant 0 : i32
      %dma_wait3A_348 = tpu.memref_slice %arg4[%add3A_38, %dma_wait3A_347, %multiple_of3A_90] : memref<64x8x2560xf32, #tpu.memory_space<vmem_shared>> -> memref<1x8x128xf32, #tpu.memory_space<vmem_shared>>
      %dma_wait3A_349 = tpu.memref_squeeze %dma_wait3A_348 : memref<1x8x128xf32, #tpu.memory_space<vmem_shared>> -> memref<8x128xf32, #tpu.memory_space<vmem_shared>>
      tpu.wait_dma2 semaphore(%arg5 : memref<!tpu.dma_semaphore, #tpu.memory_space<semaphore_mem>>) src(%dma_wait3A_349 : memref<8x128xf32, #tpu.memory_space<vmem_shared>>) dst(%dma_wait3A_346 : memref<8x128xf32, #tpu.memory_space<hbm>>)
      %dma_wait3A_350 = arith.constant 0 : i32
      %dma_wait3A_351 = arith.constant 0 : i32
      %dma_wait3A_352 = tpu.memref_slice %arg3[%add3A_107, %dma_wait3A_350, %dma_wait3A_351] : memref<65536x8x128xf32, #tpu.memory_space<hbm>> -> memref<1x8x128xf32, #tpu.memory_space<hbm>>
      %dma_wait3A_353 = tpu.memref_squeeze %dma_wait3A_352 : memref<1x8x128xf32, #tpu.memory_space<hbm>> -> memref<8x128xf32, #tpu.memory_space<hbm>>
      %dma_wait3A_354 = arith.constant 0 : i32
      %dma_wait3A_355 = tpu.memref_slice %arg4[%add3A_38, %dma_wait3A_354, %multiple_of3A_100] : memref<64x8x2560xf32, #tpu.memory_space<vmem_shared>> -> memref<1x8x128xf32, #tpu.memory_space<vmem_shared>>
      %dma_wait3A_356 = tpu.memref_squeeze %dma_wait3A_355 : memref<1x8x128xf32, #tpu.memory_space<vmem_shared>> -> memref<8x128xf32, #tpu.memory_space<vmem_shared>>
      tpu.wait_dma2 semaphore(%arg5 : memref<!tpu.dma_semaphore, #tpu.memory_space<semaphore_mem>>) src(%dma_wait3A_356 : memref<8x128xf32, #tpu.memory_space<vmem_shared>>) dst(%dma_wait3A_353 : memref<8x128xf32, #tpu.memory_space<hbm>>)
      %dma_wait3A_357 = arith.constant 0 : i32
      %dma_wait3A_358 = arith.constant 0 : i32
      %dma_wait3A_359 = tpu.memref_slice %arg3[%add3A_117, %dma_wait3A_357, %dma_wait3A_358] : memref<65536x8x128xf32, #tpu.memory_space<hbm>> -> memref<1x8x128xf32, #tpu.memory_space<hbm>>
      %dma_wait3A_360 = tpu.memref_squeeze %dma_wait3A_359 : memref<1x8x128xf32, #tpu.memory_space<hbm>> -> memref<8x128xf32, #tpu.memory_space<hbm>>
      %dma_wait3A_361 = arith.constant 0 : i32
      %dma_wait3A_362 = tpu.memref_slice %arg4[%add3A_38, %dma_wait3A_361, %multiple_of3A_110] : memref<64x8x2560xf32, #tpu.memory_space<vmem_shared>> -> memref<1x8x128xf32, #tpu.memory_space<vmem_shared>>
      %dma_wait3A_363 = tpu.memref_squeeze %dma_wait3A_362 : memref<1x8x128xf32, #tpu.memory_space<vmem_shared>> -> memref<8x128xf32, #tpu.memory_space<vmem_shared>>
      tpu.wait_dma2 semaphore(%arg5 : memref<!tpu.dma_semaphore, #tpu.memory_space<semaphore_mem>>) src(%dma_wait3A_363 : memref<8x128xf32, #tpu.memory_space<vmem_shared>>) dst(%dma_wait3A_360 : memref<8x128xf32, #tpu.memory_space<hbm>>)
      %dma_wait3A_364 = arith.constant 0 : i32
      %dma_wait3A_365 = arith.constant 0 : i32
      %dma_wait3A_366 = tpu.memref_slice %arg3[%add3A_127, %dma_wait3A_364, %dma_wait3A_365] : memref<65536x8x128xf32, #tpu.memory_space<hbm>> -> memref<1x8x128xf32, #tpu.memory_space<hbm>>
      %dma_wait3A_367 = tpu.memref_squeeze %dma_wait3A_366 : memref<1x8x128xf32, #tpu.memory_space<hbm>> -> memref<8x128xf32, #tpu.memory_space<hbm>>
      %dma_wait3A_368 = arith.constant 0 : i32
      %dma_wait3A_369 = tpu.memref_slice %arg4[%add3A_38, %dma_wait3A_368, %multiple_of3A_120] : memref<64x8x2560xf32, #tpu.memory_space<vmem_shared>> -> memref<1x8x128xf32, #tpu.memory_space<vmem_shared>>
      %dma_wait3A_370 = tpu.memref_squeeze %dma_wait3A_369 : memref<1x8x128xf32, #tpu.memory_space<vmem_shared>> -> memref<8x128xf32, #tpu.memory_space<vmem_shared>>
      tpu.wait_dma2 semaphore(%arg5 : memref<!tpu.dma_semaphore, #tpu.memory_space<semaphore_mem>>) src(%dma_wait3A_370 : memref<8x128xf32, #tpu.memory_space<vmem_shared>>) dst(%dma_wait3A_367 : memref<8x128xf32, #tpu.memory_space<hbm>>)
      %dma_wait3A_371 = arith.constant 0 : i32
      %dma_wait3A_372 = arith.constant 0 : i32
      %dma_wait3A_373 = tpu.memref_slice %arg3[%add3A_137, %dma_wait3A_371, %dma_wait3A_372] : memref<65536x8x128xf32, #tpu.memory_space<hbm>> -> memref<1x8x128xf32, #tpu.memory_space<hbm>>
      %dma_wait3A_374 = tpu.memref_squeeze %dma_wait3A_373 : memref<1x8x128xf32, #tpu.memory_space<hbm>> -> memref<8x128xf32, #tpu.memory_space<hbm>>
      %dma_wait3A_375 = arith.constant 0 : i32
      %dma_wait3A_376 = tpu.memref_slice %arg4[%add3A_38, %dma_wait3A_375, %multiple_of3A_130] : memref<64x8x2560xf32, #tpu.memory_space<vmem_shared>> -> memref<1x8x128xf32, #tpu.memory_space<vmem_shared>>
      %dma_wait3A_377 = tpu.memref_squeeze %dma_wait3A_376 : memref<1x8x128xf32, #tpu.memory_space<vmem_shared>> -> memref<8x128xf32, #tpu.memory_space<vmem_shared>>
      tpu.wait_dma2 semaphore(%arg5 : memref<!tpu.dma_semaphore, #tpu.memory_space<semaphore_mem>>) src(%dma_wait3A_377 : memref<8x128xf32, #tpu.memory_space<vmem_shared>>) dst(%dma_wait3A_374 : memref<8x128xf32, #tpu.memory_space<hbm>>)
      %dma_wait3A_378 = arith.constant 0 : i32
      %dma_wait3A_379 = arith.constant 0 : i32
      %dma_wait3A_380 = tpu.memref_slice %arg3[%add3A_147, %dma_wait3A_378, %dma_wait3A_379] : memref<65536x8x128xf32, #tpu.memory_space<hbm>> -> memref<1x8x128xf32, #tpu.memory_space<hbm>>
      %dma_wait3A_381 = tpu.memref_squeeze %dma_wait3A_380 : memref<1x8x128xf32, #tpu.memory_space<hbm>> -> memref<8x128xf32, #tpu.memory_space<hbm>>
      %dma_wait3A_382 = arith.constant 0 : i32
      %dma_wait3A_383 = tpu.memref_slice %arg4[%add3A_38, %dma_wait3A_382, %multiple_of3A_140] : memref<64x8x2560xf32, #tpu.memory_space<vmem_shared>> -> memref<1x8x128xf32, #tpu.memory_space<vmem_shared>>
      %dma_wait3A_384 = tpu.memref_squeeze %dma_wait3A_383 : memref<1x8x128xf32, #tpu.memory_space<vmem_shared>> -> memref<8x128xf32, #tpu.memory_space<vmem_shared>>
      tpu.wait_dma2 semaphore(%arg5 : memref<!tpu.dma_semaphore, #tpu.memory_space<semaphore_mem>>) src(%dma_wait3A_384 : memref<8x128xf32, #tpu.memory_space<vmem_shared>>) dst(%dma_wait3A_381 : memref<8x128xf32, #tpu.memory_space<hbm>>)
      %dma_wait3A_385 = arith.constant 0 : i32
      %dma_wait3A_386 = arith.constant 0 : i32
      %dma_wait3A_387 = tpu.memref_slice %arg3[%add3A_157, %dma_wait3A_385, %dma_wait3A_386] : memref<65536x8x128xf32, #tpu.memory_space<hbm>> -> memref<1x8x128xf32, #tpu.memory_space<hbm>>
      %dma_wait3A_388 = tpu.memref_squeeze %dma_wait3A_387 : memref<1x8x128xf32, #tpu.memory_space<hbm>> -> memref<8x128xf32, #tpu.memory_space<hbm>>
      %dma_wait3A_389 = arith.constant 0 : i32
      %dma_wait3A_390 = tpu.memref_slice %arg4[%add3A_38, %dma_wait3A_389, %multiple_of3A_150] : memref<64x8x2560xf32, #tpu.memory_space<vmem_shared>> -> memref<1x8x128xf32, #tpu.memory_space<vmem_shared>>
      %dma_wait3A_391 = tpu.memref_squeeze %dma_wait3A_390 : memref<1x8x128xf32, #tpu.memory_space<vmem_shared>> -> memref<8x128xf32, #tpu.memory_space<vmem_shared>>
      tpu.wait_dma2 semaphore(%arg5 : memref<!tpu.dma_semaphore, #tpu.memory_space<semaphore_mem>>) src(%dma_wait3A_391 : memref<8x128xf32, #tpu.memory_space<vmem_shared>>) dst(%dma_wait3A_388 : memref<8x128xf32, #tpu.memory_space<hbm>>)
      %dma_wait3A_392 = arith.constant 0 : i32
      %dma_wait3A_393 = arith.constant 0 : i32
      %dma_wait3A_394 = tpu.memref_slice %arg3[%add3A_167, %dma_wait3A_392, %dma_wait3A_393] : memref<65536x8x128xf32, #tpu.memory_space<hbm>> -> memref<1x8x128xf32, #tpu.memory_space<hbm>>
      %dma_wait3A_395 = tpu.memref_squeeze %dma_wait3A_394 : memref<1x8x128xf32, #tpu.memory_space<hbm>> -> memref<8x128xf32, #tpu.memory_space<hbm>>
      %dma_wait3A_396 = arith.constant 0 : i32
      %dma_wait3A_397 = tpu.memref_slice %arg4[%add3A_38, %dma_wait3A_396, %multiple_of3A_160] : memref<64x8x2560xf32, #tpu.memory_space<vmem_shared>> -> memref<1x8x128xf32, #tpu.memory_space<vmem_shared>>
      %dma_wait3A_398 = tpu.memref_squeeze %dma_wait3A_397 : memref<1x8x128xf32, #tpu.memory_space<vmem_shared>> -> memref<8x128xf32, #tpu.memory_space<vmem_shared>>
      tpu.wait_dma2 semaphore(%arg5 : memref<!tpu.dma_semaphore, #tpu.memory_space<semaphore_mem>>) src(%dma_wait3A_398 : memref<8x128xf32, #tpu.memory_space<vmem_shared>>) dst(%dma_wait3A_395 : memref<8x128xf32, #tpu.memory_space<hbm>>)
      %dma_wait3A_399 = arith.constant 0 : i32
      %dma_wait3A_400 = arith.constant 0 : i32
      %dma_wait3A_401 = tpu.memref_slice %arg3[%add3A_177, %dma_wait3A_399, %dma_wait3A_400] : memref<65536x8x128xf32, #tpu.memory_space<hbm>> -> memref<1x8x128xf32, #tpu.memory_space<hbm>>
      %dma_wait3A_402 = tpu.memref_squeeze %dma_wait3A_401 : memref<1x8x128xf32, #tpu.memory_space<hbm>> -> memref<8x128xf32, #tpu.memory_space<hbm>>
      %dma_wait3A_403 = arith.constant 0 : i32
      %dma_wait3A_404 = tpu.memref_slice %arg4[%add3A_38, %dma_wait3A_403, %multiple_of3A_170] : memref<64x8x2560xf32, #tpu.memory_space<vmem_shared>> -> memref<1x8x128xf32, #tpu.memory_space<vmem_shared>>
      %dma_wait3A_405 = tpu.memref_squeeze %dma_wait3A_404 : memref<1x8x128xf32, #tpu.memory_space<vmem_shared>> -> memref<8x128xf32, #tpu.memory_space<vmem_shared>>
      tpu.wait_dma2 semaphore(%arg5 : memref<!tpu.dma_semaphore, #tpu.memory_space<semaphore_mem>>) src(%dma_wait3A_405 : memref<8x128xf32, #tpu.memory_space<vmem_shared>>) dst(%dma_wait3A_402 : memref<8x128xf32, #tpu.memory_space<hbm>>)
      %dma_wait3A_406 = arith.constant 0 : i32
      %dma_wait3A_407 = arith.constant 0 : i32
      %dma_wait3A_408 = tpu.memref_slice %arg3[%add3A_187, %dma_wait3A_406, %dma_wait3A_407] : memref<65536x8x128xf32, #tpu.memory_space<hbm>> -> memref<1x8x128xf32, #tpu.memory_space<hbm>>
      %dma_wait3A_409 = tpu.memref_squeeze %dma_wait3A_408 : memref<1x8x128xf32, #tpu.memory_space<hbm>> -> memref<8x128xf32, #tpu.memory_space<hbm>>
      %dma_wait3A_410 = arith.constant 0 : i32
      %dma_wait3A_411 = tpu.memref_slice %arg4[%add3A_38, %dma_wait3A_410, %multiple_of3A_180] : memref<64x8x2560xf32, #tpu.memory_space<vmem_shared>> -> memref<1x8x128xf32, #tpu.memory_space<vmem_shared>>
      %dma_wait3A_412 = tpu.memref_squeeze %dma_wait3A_411 : memref<1x8x128xf32, #tpu.memory_space<vmem_shared>> -> memref<8x128xf32, #tpu.memory_space<vmem_shared>>
      tpu.wait_dma2 semaphore(%arg5 : memref<!tpu.dma_semaphore, #tpu.memory_space<semaphore_mem>>) src(%dma_wait3A_412 : memref<8x128xf32, #tpu.memory_space<vmem_shared>>) dst(%dma_wait3A_409 : memref<8x128xf32, #tpu.memory_space<hbm>>)
      %dma_wait3A_413 = arith.constant 0 : i32
      %dma_wait3A_414 = arith.constant 0 : i32
      %dma_wait3A_415 = tpu.memref_slice %arg3[%add3A_197, %dma_wait3A_413, %dma_wait3A_414] : memref<65536x8x128xf32, #tpu.memory_space<hbm>> -> memref<1x8x128xf32, #tpu.memory_space<hbm>>
      %dma_wait3A_416 = tpu.memref_squeeze %dma_wait3A_415 : memref<1x8x128xf32, #tpu.memory_space<hbm>> -> memref<8x128xf32, #tpu.memory_space<hbm>>
      %dma_wait3A_417 = arith.constant 0 : i32
      %dma_wait3A_418 = tpu.memref_slice %arg4[%add3A_38, %dma_wait3A_417, %multiple_of3A_190] : memref<64x8x2560xf32, #tpu.memory_space<vmem_shared>> -> memref<1x8x128xf32, #tpu.memory_space<vmem_shared>>
      %dma_wait3A_419 = tpu.memref_squeeze %dma_wait3A_418 : memref<1x8x128xf32, #tpu.memory_space<vmem_shared>> -> memref<8x128xf32, #tpu.memory_space<vmem_shared>>
      tpu.wait_dma2 semaphore(%arg5 : memref<!tpu.dma_semaphore, #tpu.memory_space<semaphore_mem>>) src(%dma_wait3A_419 : memref<8x128xf32, #tpu.memory_space<vmem_shared>>) dst(%dma_wait3A_416 : memref<8x128xf32, #tpu.memory_space<hbm>>)
    }
    %scan3A_9 = arith.constant 128 : i32
    return
  }
}

</mosaic_0001>

<sc_bundles>
// kernel: kernel.3.cloned.1.call-start
scs
__scs_entry_jumppad:
0x0: {  	(pc) =	sbr.rel $0x88, $3  }
0x1: {  	(tag) =	ssettag $0x0;
	lr =	simm.s32 $0x1  }
0x2: {  	[smem:$0x3FA0] =	sst lr;
	_ =	strace $0xD0000000  }
0x3: {  	_ = 	snop  }
0x4: {  	_ = 	snop  }
0x5: {  	_ = 	snop  }
0x6: {  	_ = 	snop  }
0x7: {  	_ = 	snop  }
__scs_overlays_trampoline_lowered:
0x8: {  	[smem:$0x3FAF] =	sst s0  }
0x9: {  	[smem:$0x3FB0] =	sst s1  }
0xa: {  	[smem:$0x3FB1] =	sst s2  }
0xb: {  	[smem:$0x3FB2] =	sst s3  }
0xc: {  	[smem:$0x3FB3] =	sst s4  }
0xd: {  	[smem:$0x3FB4] =	sst s5  }
0xe: {  	[smem:$0x3FB5] =	sst s6  }
0xf: {  	[smem:$0x3FB6] =	sst s7  }
0x10: {  	[smem:$0x3FB7] =	sst s8  }
0x11: {  	[smem:$0x3FB8] =	sst s9;
	s0 =	simm.s32 @!p0 $0x0  }
0x12: {  	s1 =	sld [smem:$0x3F9E];
	s0 =	simm.s32 @p0 $0x1  }
0x13: {  	[smem:$0x3FB9] =	sst s0;
	s0 =	simm.s32 @!p1 $0x0  }
0x14: {  	s2 =	sld [smem:$0x3F9D];
	s0 =	simm.s32 @p1 $0x1  }
0x15: {  	[smem:$0x3FBA] =	sst s0;
	s0 =	simm.s32 @!p2 $0x0  }
0x16: {  	s3 =	sld [smem:$0x3FDB];
	s0 =	simm.s32 @p2 $0x1  }
0x17: {  	s4 =	simm.s32 $0x1BF5;
	[smem:$0x3FBC] =	sst s0  }
0x18: {  	s0 =	sld [smem:$0x3F9F];
	_ =	swait.ge [sflag:s4], $0x0  }
0x19: {  	s7 =	sld [smem:$0x3FA0]  }
0x1a: {  	s8 =	sadd.s32 $0xFFFFE003, lr  }
0x1b: {  	s9 =	sadd.s32 $0xFFFFFEF7, lr;
	s5 =	simm.s32 $0xFFFFFFFF;
	p2 =	slt.u32 s8, $0xFFFFF086  }
0x1c: {  	p1 =	slt.u32 s9, $0xF7A;
	s5 =	simm.s32 @!p2 $0x0  }
0x1d: {  	s5 =	simm.s32 @p1 $0x1;
	p0 =	seq.s32 s7, s2  }
0x1e: {  	s7 =	smul.u32 @!p0 $0xF7A, s2;
	p2 =	seq.s32 @!p0 s5, $0x0  }
0x1f: {  	s9 =	smul.u32 $0xF7A, s1;
	s8 =	simm.s32 @!p0 $0x1BF5;
	p2 =	por !p2, p0  }
0x20: {  	[sflag:s8] =	ssyncset.s32 @!p0 $0xFFFFF086;
	s6 =	sadd.s32 @!p0 s3, s7;
	s7 =	simm.s32 @!p0 $0x108  }
0x21: {  	s3 =	sadd.s32 s3, s9;
	s6 =	sadd.s32 @!p0 $0x88, s6;
	s7 =	simm.s32 @p2 $0x1082  }
0x22: {  	[simem:s7], [sflag:s8] =	dma.local @!p0 [hbm:s6], $0xF7A  }
0x23: {  	s9 =	sor.u32 $0xD0000000, s2;
	s6 =	simm.s32 $0x108;
	_ =	swait.ge @!p0 [sflag:s8], $0x0  }
0x24: {  	s3 =	sadd.s32 $0x88, s3;
	s6 =	simm.s32 @!p1 $0x1082;
	[sflag:s4] =	ssyncset.s32 $0xFFFFF086  }
0x25: {  	[simem:s6], [sflag:s4] =	dma.local [hbm:s3], $0xF7A  }
0x26: {  	[smem:$0x3FA0] =	sst s1;
	(tag) =	ssettag s2;
	_ =	strace s9  }
0x27: {  	s1 =	sld [smem:$0x3FB0]  }
0x28: {  	s2 =	sld [smem:$0x3FB1]  }
0x29: {  	s4 =	sld [smem:$0x3FB3]  }
0x2a: {  	p0 =	seq.s32 s5, $0x0;
	s5 =	sld [smem:$0x3FB4]  }
0x2b: {  	s6 =	sld [smem:$0x3FB5]  }
0x2c: {  	s7 =	sld [smem:$0x3FB6]  }
0x2d: {  	s3 =	simm.s32 $0x108;
	s8 =	sld [smem:$0x3FB7]  }
0x2e: {  	s3 =	simm.s32 @!p0 $0x1082;
	s9 =	sld [smem:$0x3FB8]  }
0x2f: {  	lr =	sadd.s32 s0, s3;
	s0 =	sld [smem:$0x3FAF]  }
0x30: {  	s3 =	sld [smem:$0x3FB2]  }
0x31: {  	[smem:$0x3FBB] =	sst s10  }
0x32: {  	s10 =	sld [smem:$0x3FB9];
	_ =	sdelay $0x3  }
0x33: {  	p0 =	seq.s32 s10, $0x1;
	s10 =	sld [smem:$0x3FBB];
	_ =	sdelay $0x3  }
0x34: {  	[smem:$0x3FBB] =	sst s10  }
0x35: {  	s10 =	sld [smem:$0x3FBA];
	_ =	sdelay $0x3  }
0x36: {  	p1 =	seq.s32 s10, $0x1;
	s10 =	sld [smem:$0x3FBB];
	_ =	sdelay $0x3  }
0x37: {  	[smem:$0x3FBB] =	sst s10  }
0x38: {  	s10 =	sld [smem:$0x3FBC]  }
0x39: {  	_ = 	snop;
	(pc) =	sbr.ind lr, $3  }
0x3a: {  	_ = 	snop  }
0x3b: {  	_ = 	snop  }
0x3c: {  	p2 =	seq.s32 s10, $0x1;
	s10 =	sld [smem:$0x3FBB]  }
0x3d: {  	_ =	shalt  }
0x3e: {  	_ =	shalt  }
0x3f: {  	_ =	shalt  }
0x40: {  	_ =	shalt  }
0x41: {  	_ =	shalt  }
0x42: {  	_ =	shalt  }
0x43: {  	_ =	shalt  }
0x44: {  	_ =	shalt  }
0x45: {  	_ =	shalt  }
0x46: {  	_ =	shalt  }
0x47: {  	_ =	shalt  }
0x48: {  	_ =	shalt  }
0x49: {  	_ =	shalt  }
0x4a: {  	_ =	shalt  }
0x4b: {  	_ =	shalt  }
0x4c: {  	_ =	shalt  }
0x4d: {  	_ =	shalt  }
0x4e: {  	_ =	shalt  }
0x4f: {  	_ =	shalt  }
0x50: {  	_ =	shalt  }
0x51: {  	_ =	shalt  }
0x52: {  	_ =	shalt  }
0x53: {  	_ =	shalt  }
0x54: {  	_ =	shalt  }
0x55: {  	_ =	shalt  }
0x56: {  	_ =	shalt  }
0x57: {  	_ =	shalt  }
0x58: {  	_ =	shalt  }
0x59: {  	_ =	shalt  }
0x5a: {  	_ =	shalt  }
0x5b: {  	_ =	shalt  }
0x5c: {  	_ =	shalt  }
0x5d: {  	_ =	shalt  }
0x5e: {  	_ =	shalt  }
0x5f: {  	_ =	shalt  }
0x60: {  	_ =	shalt  }
0x61: {  	_ =	shalt  }
0x62: {  	_ =	shalt  }
0x63: {  	_ =	shalt  }
0x64: {  	_ =	shalt  }
0x65: {  	_ =	shalt  }
0x66: {  	_ =	shalt  }
0x67: {  	_ =	shalt  }
0x68: {  	_ =	shalt  }
0x69: {  	_ =	shalt  }
0x6a: {  	_ =	shalt  }
0x6b: {  	_ =	shalt  }
0x6c: {  	_ =	shalt  }
0x6d: {  	_ =	shalt  }
0x6e: {  	_ =	shalt  }
0x6f: {  	_ =	shalt  }
0x70: {  	_ =	shalt  }
0x71: {  	_ =	shalt  }
0x72: {  	_ =	shalt  }
0x73: {  	_ =	shalt  }
0x74: {  	_ =	shalt  }
0x75: {  	_ =	shalt  }
0x76: {  	_ =	shalt  }
0x77: {  	_ =	shalt  }
0x78: {  	_ =	shalt  }
0x79: {  	_ =	shalt  }
0x7a: {  	_ =	shalt  }
0x7b: {  	_ =	shalt  }
0x7c: {  	_ =	shalt  }
0x7d: {  	_ =	shalt  }
0x7e: {  	_ =	shalt  }
0x7f: {  	_ =	shalt  }
0x80: {  	_ =	shalt  }
0x81: {  	_ =	shalt  }
0x82: {  	_ =	shalt  }
0x83: {  	_ =	shalt  }
0x84: {  	_ =	shalt  }
0x85: {  	_ =	shalt  }
0x86: {  	_ =	shalt  }
0x87: {  	_ =	shalt  }
.Lfunc_end0:
.L_simem_size_0:
called_computation_lowered:
.L_overlay_start_0:
0x88: {  	s2 =	sld [smem:$0x3FD9]  }
0x89: {  	s3 =	sld [smem:$0x3FFE];
	_ =	sdelay $0x1  }
0x8a: {  	s1 =	srdreg.scid  }
0x8b: {  	s0 =	sand.u32 $0x1, s1  }
0x8c: {  	s17 =	sshll.u32 s0, $0xA;
	s2 =	sadd.s32 s3, s2  }
0x8d: {  	s2 =	sadd.s32 s2, s17  }
0x8e: {  	[smem:$0x3FC7] =	sst s2  }
0x8f: {  	_ = 	snop  }
0x90: {  	s2 =	sld [smem:$0x3FD0];
	(tm) =	ssettm $0x1  }
0x91: {  	s18 =	sld [smem:$0x3FFB];
	_ =	sdelay $0x3  }
0x92: {  	_ =	strace s18  }
0x93: {  	s3 =	sld [smem:$0x3FFC];
	_ =	sdelay $0x3  }
0x94: {  	_ =	strace s3  }
0x95: {  	s3 =	sld [smem:$0x3FFD];
	_ =	sdelay $0x3  }
0x96: {  	_ =	strace s3  }
0x97: {  	_ =	strace $0x8FFFFFFF  }
0x98: {  	s19 =	sld [smem:$0x3FDB];
	_ =	sdelay $0x1  }
0x99: {  	s4 =	simm.s32 $_scs_section_size  }
0x9a: {  	s5 =	simm.s32 $_size__tile_overlayer_lowered;
	s6 =	simm.s32 $_tile_overlayer_lowered  }
0x9b: {  	s22 =	simm.s32 $0x1BFF;
	s21 =	sshll.u32 s6, $0x1;
	s3 =	sadd.s32 s4, s19  }
0x9c: {  	s7 =	simm.s32 $0x0;
	s20 =	sshll.u32 s5, $0x1;
	s5 =	sadd.s32 s21, s3  }
0x9d: {  	[timem:s7], [sflag:s22] =	dma.local [hbm:s5], s20  }
0x9e: {  	_ =	swait.ge [sflag:s22], s20  }
0x9f: {  	s4 =	ssub.s32 $0x0, s20;
	[sflag:s22] =	ssyncset.done $0x0  }
0xa0: {  	[sflag:s22] =	ssyncadd.s32 s4;
	_ =	sdelay $0x1  }
0xa1: {  	s23 =	simm.s32 $0x1B8B  }
0xa2: {  	_ =	swait.ge [sflag:s23], $0x1  }
0xa3: {  	[sflag:s23] =	ssyncset.done $0x0  }
0xa4: {  	s25 =	simm.s32 $0x1B8E;
	s24 =	sld [smem:$0x3FFE];
	[sflag:s23] =	ssyncadd.s32 $0xFFFFFFFF  }
0xa5: {  	s26 =	simm.s32 $execute0_lowered;
	[smem:$0x3FD2] =	sst s25  }
0xa6: {  	s5 =	sshll.u32 s26, $0x1;
	_ =	strace $0x80000046;
	[dreg:$0x1] =	wrdreg $0xFFFFFFFF  }
0xa7: {  	s28 =	simm.s32 $_size_execute0_lowered;
	s3 =	sadd.s32 s3, s5;
	[dreg:$0x0] =	wrdreg $0x0  }
0xa8: {  	s5 =	sshll.u32 s28, $0x1;
	[dreg:$0x2] =	wrdreg s3  }
0xa9: {  	[dreg:$0x3] =	wrdreg s5  }
0xaa: {  	[dreg:$0x4] =	wrdreg $0xC0  }
0xab: {  	_ =	task [dreg:s7], $0x5FFFF  }
0xac: {  	[dreg:$0x1] =	wrdreg $0xFFFFFFFF  }
0xad: {  	[dreg:$0x0] =	wrdreg $0x60  }
0xae: {  	[dreg:$0x2] =	wrdreg s24  }
0xaf: {  	[dreg:$0x3] =	wrdreg s2  }
0xb0: {  	[dreg:$0x4] =	wrdreg $0x0  }
0xb1: {  	[dreg:$0x5] =	wrdreg $0x9  }
0xb2: {  	_ =	task.clear_ibuf [dreg:s7], $0x6FFFF;
	_ =	strace $0x90000046  }
0xb3: {  	s29 =	simm.s32 $0x9;
	_ =	strace $0x80000048  }
0xb4: {  	_ =	swait.ge [sflag:s29], $0x1  }
0xb5: {  	[sflag:s29] =	ssyncadd.s32 $0xFFFFFFFF  }
0xb6: {  	_ =	strace $0x90000048  }
0xb7: {  	_ =	sfence  }
0xb8: {  	s30 =	sld [smem:$0x0];
	_ =	sdelay $0x2  }
0xb9: {  	s31 =	sshll.u32 s1, $0xD;
	s1 =	sshrl.u32 s1, $0x2  }
0xba: {  	s3 =	sand.u32 $0x4000, s31;
	s1 =	sadd.s32 s1, s30  }
0xbb: {  	s0 =	sor.u32 s3, s0;
	s1 =	sshll.u32 s1, $0x11  }
0xbc: {  	s0 =	sor.u32 s1, s0  }
0xbd: {  	s0 =	sadd.s32 $0x8F2B, s0  }
0xbe: {  	[sflag:s0] =	ssyncadd.remote.s32 $0x1  }
0xbf: {  	_ =	sfence.sel $0xFFFF  }
0xc0: {  	[dreg:$0x0] =	wrdreg $0xFFFFFFFF;
	(pc) =	sbr.abs _section_cstart, $3  }
0xc1: {  	[dreg:$0x1] =	wrdreg $0xFFFFFFFF  }
0xc2: {  	_ =	task.clear_ibuf [dreg:s7], $0x2FFFF;
	_ =	strace $0x9FFFFFFF  }
0xc3: {  	(tm) =	ssettm $0x7FFFFFFF  }
tec
execute0_lowered:
.L_overlay_start_1:
0x0: {  	(tag) =	ssettag $0x1  }
0x1: {  	s4 =	rddreg [dreg:$0x0]  }
0x2: {  	s1 =	rddreg [dreg:$0x1]  }
0x3: {  	s2 =	rddreg [dreg:$0x2]  }
0x4: {  	s0 =	rddreg [dreg:$0x3];
	s3 =	simm.s32 $0x0  }
0x5: {  	[smem:$0x7FF] =	sst s3;
	s14 =	sadd.s32 $0x80, s1  }
0x6: {  	s15 =	sadd.s32 $0x100, s1;
	_ =	strace $0x80000047;
	[dreg:$0x5] =	wrdreg s14  }
0x7: {  	s16 =	sadd.s32 $0x180, s1;
	[dreg:$0x6] =	wrdreg s15  }
0x8: {  	s5 =	srdreg.scid;
	s17 =	sadd.s32 $0x200, s1;
	[dreg:$0x7] =	wrdreg s16  }
0x9: {  	s6 =	stileid.u32;
	s18 =	sadd.s32 $0x280, s1;
	[dreg:$0x8] =	wrdreg s17  }
0xa: {  	s9 =	simm.s32 $0x10;
	s19 =	sadd.s32 $0x300, s1;
	[dreg:$0x9] =	wrdreg s18  }
0xb: {  	s10 =	simm.s32 $0x140;
	s20 =	sadd.s32 $0x380, s1;
	[dreg:$0xa] =	wrdreg s19  }
0xc: {  	s11 =	simm.s32 $0x0;
	s21 =	sadd.s32 $0x400, s1;
	[dreg:$0xb] =	wrdreg s20  }
0xd: {  	s5 =	sand.u32 $0x1, s5;
	s22 =	sadd.s32 $0x480, s1;
	[dreg:$0xc] =	wrdreg s21  }
0xe: {  	s7 =	sshll.u32 s6, $0x5;
	s23 =	sadd.s32 $0x500, s1;
	[dreg:$0xd] =	wrdreg s22  }
0xf: {  	s24 =	sadd.s32 $0x580, s1;
	s25 =	sadd.s32 $0x600, s1;
	[dreg:$0xe] =	wrdreg s23  }
0x10: {  	s26 =	sadd.s32 $0x680, s1;
	s28 =	sadd.s32 $0x700, s1;
	[dreg:$0xf] =	wrdreg s24  }
0x11: {  	s30 =	sadd.s32 $0x780, s1;
	s4 =	sadd.s32 $0x600, s4;
	[dreg:$0x10] =	wrdreg s25  }
0x12: {  	p0 =	sne.s32 s6, $0x0;
	s31 =	sshll.u32 s6, $0x6;
	[dreg:$0x11] =	wrdreg s26  }
0x13: {  	s8 =	sshll.u32 s5, $0x4;
	s5 =	ssub.s32 $0x2, s5;
	[dreg:$0x12] =	wrdreg s28  }
0x14: {  	[dreg:$0x13] =	wrdreg s30;
	s6 =	sshrl.u32 @!p0 s2, $0x3;
	s29 =	sshrl.u32 s5, $0x1  }
0x15: {  	s7 =	sor.u32 s8, s7;
	s8 =	simm.s32 $0x1;
	s5 =	ssub.s32 s5, s29  }
0x16: {  	[dreg:$0x4] =	wrdreg s7;
	s7 =	sor.u32 $0x1C01, s31;
	s5 =	smax.u32 s5, $0x1  }
.LBB2_1:
0x17: {  	s12 =	simm.s32 @!p0 $0x1C02  }
0x18: {  	[spmem:s6], [sflag:s12] =	dma.local @!p0 [hbm:s4], $0x28000  }
0x19: {  	s12 =	simm.s32 @!p0 $0x2  }
0x1a: {  	_ =	swait.ge @!p0 [sflag:s12], $0x28000  }
0x1b: {  	[sflag:s12] =	ssyncset.done @!p0 $0x0  }
0x1c: {  	[sflag:s12] =	ssyncadd.s32 @!p0 $0xFFFD8000  }
0x1d: {  	[bflag:$0x0] =	sbarrier.arrive $0xFFFF  }
0x1e: {  	s14 =	rddreg [dreg:$0x4]  }
0x1f: {  	s12 =	sadd.s32 $0x0, s14  }
0x20: {  	s13 =	ssub.s32 $0x200, s12  }
0x21: {  	s14 =	sshll.u32 s13, $0x3  }
0x22: {  	s15 =	sand.u32 $0x7, s3;
	s14 =	sand.u32 $0x38, s14  }
0x23: {  	s14 =	sor.u32 s15, s14  }
0x24: {  	s14 =	smul.u32 $0x14000, s14;
	_ =	sdelay $0x1  }
0x25: {  	s12 =	sshll.u32 s12, $0xE;
	s14 =	sshrl.u32 s14, $0x2  }
0x26: {  	s13 =	sand.u32 $0x3F8, s13;
	s15 =	sshll.u32 s15, $0xB;
	s14 =	sadd.s32 s14, s2  }
0x27: {  	s12 =	sor.u32 s15, s12;
	s13 =	sadd.s32 s13, s14  }
0x28: {  	s15 =	sadd.s32 s1, s12;
	s16 =	sshrl.u32 s13, $0x3  }
0x29: {  	[hbm:s15@s9], [sflag:s7] =	dma.strided [spmem:s16@s10], $0x80, s8, $0x10   }
0x2a: {  	s17 =	sadd.s32 $0x80, s13;
	s14 =	rddreg [dreg:$0x5]  }
0x2b: {  	s15 =	sshrl.u32 s17, $0x3;
	s14 =	sadd.s32 s12, s14  }
0x2c: {  	[hbm:s14@s9], [sflag:s7] =	dma.strided [spmem:s15@s10], $0x80, s8, $0x10   }
0x2d: {  	s18 =	sadd.s32 $0x100, s13;
	s14 =	rddreg [dreg:$0x6]  }
0x2e: {  	s15 =	sshrl.u32 s18, $0x3;
	s14 =	sadd.s32 s12, s14  }
0x2f: {  	[hbm:s14@s9], [sflag:s7] =	dma.strided [spmem:s15@s10], $0x80, s8, $0x10   }
0x30: {  	s19 =	sadd.s32 $0x180, s13;
	s14 =	rddreg [dreg:$0x7]  }
0x31: {  	s15 =	sshrl.u32 s19, $0x3;
	s14 =	sadd.s32 s12, s14  }
0x32: {  	[hbm:s14@s9], [sflag:s7] =	dma.strided [spmem:s15@s10], $0x80, s8, $0x10   }
0x33: {  	s20 =	sadd.s32 $0x200, s13;
	s14 =	rddreg [dreg:$0x8]  }
0x34: {  	s15 =	sshrl.u32 s20, $0x3;
	s14 =	sadd.s32 s12, s14  }
0x35: {  	[hbm:s14@s9], [sflag:s7] =	dma.strided [spmem:s15@s10], $0x80, s8, $0x10   }
0x36: {  	s21 =	sadd.s32 $0x280, s13;
	s14 =	rddreg [dreg:$0x9]  }
0x37: {  	s15 =	sshrl.u32 s21, $0x3;
	s14 =	sadd.s32 s12, s14  }
0x38: {  	[hbm:s14@s9], [sflag:s7] =	dma.strided [spmem:s15@s10], $0x80, s8, $0x10   }
0x39: {  	s22 =	sadd.s32 $0x300, s13;
	s14 =	rddreg [dreg:$0xa]  }
0x3a: {  	s15 =	sshrl.u32 s22, $0x3;
	s14 =	sadd.s32 s12, s14  }
0x3b: {  	[hbm:s14@s9], [sflag:s7] =	dma.strided [spmem:s15@s10], $0x80, s8, $0x10   }
0x3c: {  	s23 =	sadd.s32 $0x380, s13;
	s14 =	rddreg [dreg:$0xb]  }
0x3d: {  	s15 =	sshrl.u32 s23, $0x3;
	s14 =	sadd.s32 s12, s14  }
0x3e: {  	[hbm:s14@s9], [sflag:s7] =	dma.strided [spmem:s15@s10], $0x80, s8, $0x10   }
0x3f: {  	s24 =	sadd.s32 $0x400, s13;
	s14 =	rddreg [dreg:$0xc]  }
0x40: {  	s15 =	sshrl.u32 s24, $0x3;
	s14 =	sadd.s32 s12, s14  }
0x41: {  	[hbm:s14@s9], [sflag:s7] =	dma.strided [spmem:s15@s10], $0x80, s8, $0x10   }
0x42: {  	s25 =	sadd.s32 $0x480, s13;
	s14 =	rddreg [dreg:$0xd]  }
0x43: {  	s15 =	sshrl.u32 s25, $0x3;
	s14 =	sadd.s32 s12, s14  }
0x44: {  	[hbm:s14@s9], [sflag:s7] =	dma.strided [spmem:s15@s10], $0x80, s8, $0x10   }
0x45: {  	s26 =	sadd.s32 $0x500, s13;
	s14 =	rddreg [dreg:$0xe]  }
0x46: {  	s15 =	sshrl.u32 s26, $0x3;
	s14 =	sadd.s32 s12, s14  }
0x47: {  	[hbm:s14@s9], [sflag:s7] =	dma.strided [spmem:s15@s10], $0x80, s8, $0x10   }
0x48: {  	s28 =	sadd.s32 $0x580, s13;
	s14 =	rddreg [dreg:$0xf]  }
0x49: {  	s15 =	sshrl.u32 s28, $0x3;
	s14 =	sadd.s32 s12, s14  }
0x4a: {  	[hbm:s14@s9], [sflag:s7] =	dma.strided [spmem:s15@s10], $0x80, s8, $0x10   }
0x4b: {  	s29 =	sadd.s32 $0x600, s13;
	s14 =	rddreg [dreg:$0x10]  }
0x4c: {  	s15 =	sshrl.u32 s29, $0x3;
	s14 =	sadd.s32 s12, s14  }
0x4d: {  	[hbm:s14@s9], [sflag:s7] =	dma.strided [spmem:s15@s10], $0x80, s8, $0x10   }
0x4e: {  	s30 =	sadd.s32 $0x680, s13;
	s14 =	rddreg [dreg:$0x11]  }
0x4f: {  	s15 =	sshrl.u32 s30, $0x3;
	s14 =	sadd.s32 s12, s14  }
0x50: {  	[hbm:s14@s9], [sflag:s7] =	dma.strided [spmem:s15@s10], $0x80, s8, $0x10   }
0x51: {  	s31 =	sadd.s32 $0x700, s13;
	s14 =	rddreg [dreg:$0x12]  }
0x52: {  	s15 =	sshrl.u32 s31, $0x3;
	s14 =	sadd.s32 s12, s14  }
0x53: {  	[hbm:s14@s9], [sflag:s7] =	dma.strided [spmem:s15@s10], $0x80, s8, $0x10   }
0x54: {  	s13 =	sadd.s32 $0x780, s13;
	s14 =	rddreg [dreg:$0x13]  }
0x55: {  	s13 =	sshrl.u32 s13, $0x3;
	s12 =	sadd.s32 s12, s14  }
0x56: {  	[hbm:s12@s9], [sflag:s7] =	dma.strided [spmem:s13@s10], $0x80, s8, $0x10   }
0x57: {  	_ =	swait.ge [sflag:s8], $0x80  }
0x58: {  	[sflag:s8] =	ssyncset.done $0x0  }
0x59: {  	[sflag:s8] =	ssyncadd.s32 $0xFFFFFF80  }
0x5a: {  	_ =	swait.ge [sflag:s8], $0x80  }
0x5b: {  	[sflag:s8] =	ssyncset.done $0x0  }
0x5c: {  	[sflag:s8] =	ssyncadd.s32 $0xFFFFFF80  }
0x5d: {  	_ =	swait.ge [sflag:s8], $0x80  }
0x5e: {  	[sflag:s8] =	ssyncset.done $0x0  }
0x5f: {  	[sflag:s8] =	ssyncadd.s32 $0xFFFFFF80  }
0x60: {  	_ =	swait.ge [sflag:s8], $0x80  }
0x61: {  	[sflag:s8] =	ssyncset.done $0x0  }
0x62: {  	[sflag:s8] =	ssyncadd.s32 $0xFFFFFF80  }
0x63: {  	_ =	swait.ge [sflag:s8], $0x80  }
0x64: {  	[sflag:s8] =	ssyncset.done $0x0  }
0x65: {  	[sflag:s8] =	ssyncadd.s32 $0xFFFFFF80  }
0x66: {  	_ =	swait.ge [sflag:s8], $0x80  }
0x67: {  	[sflag:s8] =	ssyncset.done $0x0  }
0x68: {  	[sflag:s8] =	ssyncadd.s32 $0xFFFFFF80  }
0x69: {  	_ =	swait.ge [sflag:s8], $0x80  }
0x6a: {  	[sflag:s8] =	ssyncset.done $0x0  }
0x6b: {  	[sflag:s8] =	ssyncadd.s32 $0xFFFFFF80  }
0x6c: {  	_ =	swait.ge [sflag:s8], $0x80  }
0x6d: {  	[sflag:s8] =	ssyncset.done $0x0  }
0x6e: {  	[sflag:s8] =	ssyncadd.s32 $0xFFFFFF80  }
0x6f: {  	_ =	swait.ge [sflag:s8], $0x80  }
0x70: {  	[sflag:s8] =	ssyncset.done $0x0  }
0x71: {  	[sflag:s8] =	ssyncadd.s32 $0xFFFFFF80  }
0x72: {  	_ =	swait.ge [sflag:s8], $0x80  }
0x73: {  	[sflag:s8] =	ssyncset.done $0x0  }
0x74: {  	[sflag:s8] =	ssyncadd.s32 $0xFFFFFF80  }
0x75: {  	_ =	swait.ge [sflag:s8], $0x80  }
0x76: {  	[sflag:s8] =	ssyncset.done $0x0  }
0x77: {  	[sflag:s8] =	ssyncadd.s32 $0xFFFFFF80  }
0x78: {  	_ =	swait.ge [sflag:s8], $0x80  }
0x79: {  	[sflag:s8] =	ssyncset.done $0x0  }
0x7a: {  	[sflag:s8] =	ssyncadd.s32 $0xFFFFFF80  }
0x7b: {  	_ =	swait.ge [sflag:s8], $0x80  }
0x7c: {  	[sflag:s8] =	ssyncset.done $0x0  }
0x7d: {  	[sflag:s8] =	ssyncadd.s32 $0xFFFFFF80  }
0x7e: {  	_ =	swait.ge [sflag:s8], $0x80  }
0x7f: {  	[sflag:s8] =	ssyncset.done $0x0  }
0x80: {  	[sflag:s8] =	ssyncadd.s32 $0xFFFFFF80  }
0x81: {  	_ =	swait.ge [sflag:s8], $0x80  }
0x82: {  	[sflag:s8] =	ssyncset.done $0x0  }
0x83: {  	[sflag:s8] =	ssyncadd.s32 $0xFFFFFF80  }
0x84: {  	s12 =	simm.s32 $0x1;
	_ =	swait.ge [sflag:s8], $0x80  }
0x85: {  	s13 =	simm.s32 $0x2;
	s14 =	rddreg [dreg:$0x4];
	[sflag:s8] =	ssyncset.done $0x0  }
.LBB2_2:
0x86: {  	s16 =	sshrl.u32 s12, $0x3  }
0x87: {  	s14 =	sadd.s32 s14, s16  }
0x88: {  	s16 =	ssub.s32 $0x200, s14  }
0x89: {  	s17 =	sshll.u32 s16, $0x3  }
0x8a: {  	s18 =	sand.u32 $0x7, s12;
	s17 =	sand.u32 $0x38, s17  }
0x8b: {  	s15 =	smov.u32 s13;
	s26 =	sor.u32 s18, s17  }
0x8c: {  	s12 =	smov.u32 s15;
	s15 =	smul.u32 $0x14000, s26;
	_ =	sdelay $0x1  }
0x8d: {  	s28 =	sshll.u32 s18, $0xB;
	s15 =	sshrl.u32 s15, $0x2  }
0x8e: {  	s14 =	sshll.u32 s14, $0xE;
	s16 =	sand.u32 $0x3F8, s16;
	s15 =	sadd.s32 s15, s2  }
0x8f: {  	s14 =	sor.u32 s28, s14;
	s15 =	sadd.s32 s16, s15  }
0x90: {  	[sflag:s8] =	ssyncadd.s32 $0xFFFFFF80;
	s29 =	sadd.s32 s1, s14;
	s30 =	sshrl.u32 s15, $0x3  }
0x91: {  	[hbm:s29@s9], [sflag:s7] =	dma.strided [spmem:s30@s10], $0x80, s8, $0x10   }
0x92: {  	s31 =	sadd.s32 $0x80, s15;
	s16 =	rddreg [dreg:$0x5]  }
0x93: {  	s19 =	sshrl.u32 s31, $0x3;
	s16 =	sadd.s32 s14, s16  }
0x94: {  	[hbm:s16@s9], [sflag:s7] =	dma.strided [spmem:s19@s10], $0x80, s8, $0x10   }
0x95: {  	s24 =	sadd.s32 $0x100, s15;
	s30 =	rddreg [dreg:$0x6]  }
0x96: {  	s24 =	sshrl.u32 s24, $0x3;
	s30 =	sadd.s32 s14, s30  }
0x97: {  	[hbm:s30@s9], [sflag:s7] =	dma.strided [spmem:s24@s10], $0x80, s8, $0x10   }
0x98: {  	s25 =	sadd.s32 $0x180, s15;
	s24 =	rddreg [dreg:$0x7]  }
0x99: {  	s25 =	sshrl.u32 s25, $0x3;
	s24 =	sadd.s32 s14, s24  }
0x9a: {  	[hbm:s24@s9], [sflag:s7] =	dma.strided [spmem:s25@s10], $0x80, s8, $0x10   }
0x9b: {  	s26 =	sadd.s32 $0x200, s15;
	s24 =	rddreg [dreg:$0x8]  }
0x9c: {  	s26 =	sshrl.u32 s26, $0x3;
	s24 =	sadd.s32 s14, s24  }
0x9d: {  	[hbm:s24@s9], [sflag:s7] =	dma.strided [spmem:s26@s10], $0x80, s8, $0x10   }
0x9e: {  	s28 =	sadd.s32 $0x280, s15;
	s24 =	rddreg [dreg:$0x9]  }
0x9f: {  	s30 =	sshrl.u32 s28, $0x3;
	s24 =	sadd.s32 s14, s24  }
0xa0: {  	[hbm:s24@s9], [sflag:s7] =	dma.strided [spmem:s30@s10], $0x80, s8, $0x10   }
0xa1: {  	s29 =	sadd.s32 $0x300, s15;
	s24 =	rddreg [dreg:$0xa]  }
0xa2: {  	s31 =	sshrl.u32 s29, $0x3;
	s24 =	sadd.s32 s14, s24  }
0xa3: {  	[hbm:s24@s9], [sflag:s7] =	dma.strided [spmem:s31@s10], $0x80, s8, $0x10   }
0xa4: {  	s23 =	sadd.s32 $0x380, s15;
	s24 =	rddreg [dreg:$0xb]  }
0xa5: {  	s23 =	sshrl.u32 s23, $0x3;
	s24 =	sadd.s32 s14, s24  }
0xa6: {  	[hbm:s24@s9], [sflag:s7] =	dma.strided [spmem:s23@s10], $0x80, s8, $0x10   }
0xa7: {  	s22 =	sadd.s32 $0x400, s15;
	s23 =	rddreg [dreg:$0xc]  }
0xa8: {  	s22 =	sshrl.u32 s22, $0x3;
	s23 =	sadd.s32 s14, s23  }
0xa9: {  	[hbm:s23@s9], [sflag:s7] =	dma.strided [spmem:s22@s10], $0x80, s8, $0x10   }
0xaa: {  	s21 =	sadd.s32 $0x480, s15;
	s22 =	rddreg [dreg:$0xd]  }
0xab: {  	s21 =	sshrl.u32 s21, $0x3;
	s22 =	sadd.s32 s14, s22  }
0xac: {  	[hbm:s22@s9], [sflag:s7] =	dma.strided [spmem:s21@s10], $0x80, s8, $0x10   }
0xad: {  	s20 =	sadd.s32 $0x500, s15;
	s21 =	rddreg [dreg:$0xe]  }
0xae: {  	s20 =	sshrl.u32 s20, $0x3;
	s21 =	sadd.s32 s14, s21  }
0xaf: {  	[hbm:s21@s9], [sflag:s7] =	dma.strided [spmem:s20@s10], $0x80, s8, $0x10   }
0xb0: {  	s19 =	sadd.s32 $0x580, s15;
	s20 =	rddreg [dreg:$0xf]  }
0xb1: {  	s19 =	sshrl.u32 s19, $0x3;
	s20 =	sadd.s32 s14, s20  }
0xb2: {  	[hbm:s20@s9], [sflag:s7] =	dma.strided [spmem:s19@s10], $0x80, s8, $0x10   }
0xb3: {  	s18 =	sadd.s32 $0x600, s15;
	s19 =	rddreg [dreg:$0x10]  }
0xb4: {  	s18 =	sshrl.u32 s18, $0x3;
	s19 =	sadd.s32 s14, s19  }
0xb5: {  	[hbm:s19@s9], [sflag:s7] =	dma.strided [spmem:s18@s10], $0x80, s8, $0x10   }
0xb6: {  	s17 =	sadd.s32 $0x680, s15;
	s18 =	rddreg [dreg:$0x11]  }
0xb7: {  	s17 =	sshrl.u32 s17, $0x3;
	s18 =	sadd.s32 s14, s18  }
0xb8: {  	[hbm:s18@s9], [sflag:s7] =	dma.strided [spmem:s17@s10], $0x80, s8, $0x10   }
0xb9: {  	s16 =	sadd.s32 $0x700, s15;
	s17 =	rddreg [dreg:$0x12]  }
0xba: {  	s16 =	sshrl.u32 s16, $0x3;
	s17 =	sadd.s32 s14, s17  }
0xbb: {  	[hbm:s17@s9], [sflag:s7] =	dma.strided [spmem:s16@s10], $0x80, s8, $0x10   }
0xbc: {  	s15 =	sadd.s32 $0x780, s15;
	s16 =	rddreg [dreg:$0x13]  }
0xbd: {  	s15 =	sshrl.u32 s15, $0x3;
	s14 =	sadd.s32 s14, s16  }
0xbe: {  	[hbm:s14@s9], [sflag:s7] =	dma.strided [spmem:s15@s10], $0x80, s8, $0x10   }
0xbf: {  	_ =	swait.ge [sflag:s8], $0x80  }
0xc0: {  	[sflag:s8] =	ssyncset.done $0x0  }
0xc1: {  	[sflag:s8] =	ssyncadd.s32 $0xFFFFFF80  }
0xc2: {  	_ =	swait.ge [sflag:s8], $0x80  }
0xc3: {  	[sflag:s8] =	ssyncset.done $0x0  }
0xc4: {  	[sflag:s8] =	ssyncadd.s32 $0xFFFFFF80  }
0xc5: {  	_ =	swait.ge [sflag:s8], $0x80  }
0xc6: {  	[sflag:s8] =	ssyncset.done $0x0  }
0xc7: {  	[sflag:s8] =	ssyncadd.s32 $0xFFFFFF80  }
0xc8: {  	_ =	swait.ge [sflag:s8], $0x80  }
0xc9: {  	[sflag:s8] =	ssyncset.done $0x0  }
0xca: {  	[sflag:s8] =	ssyncadd.s32 $0xFFFFFF80  }
0xcb: {  	_ =	swait.ge [sflag:s8], $0x80  }
0xcc: {  	[sflag:s8] =	ssyncset.done $0x0  }
0xcd: {  	[sflag:s8] =	ssyncadd.s32 $0xFFFFFF80  }
0xce: {  	_ =	swait.ge [sflag:s8], $0x80  }
0xcf: {  	[sflag:s8] =	ssyncset.done $0x0  }
0xd0: {  	[sflag:s8] =	ssyncadd.s32 $0xFFFFFF80  }
0xd1: {  	_ =	swait.ge [sflag:s8], $0x80  }
0xd2: {  	[sflag:s8] =	ssyncset.done $0x0  }
0xd3: {  	[sflag:s8] =	ssyncadd.s32 $0xFFFFFF80  }
0xd4: {  	_ =	swait.ge [sflag:s8], $0x80  }
0xd5: {  	[sflag:s8] =	ssyncset.done $0x0  }
0xd6: {  	[sflag:s8] =	ssyncadd.s32 $0xFFFFFF80  }
0xd7: {  	_ =	swait.ge [sflag:s8], $0x80  }
0xd8: {  	[sflag:s8] =	ssyncset.done $0x0  }
0xd9: {  	[sflag:s8] =	ssyncadd.s32 $0xFFFFFF80  }
0xda: {  	_ =	swait.ge [sflag:s8], $0x80  }
0xdb: {  	[sflag:s8] =	ssyncset.done $0x0  }
0xdc: {  	[sflag:s8] =	ssyncadd.s32 $0xFFFFFF80  }
0xdd: {  	_ =	swait.ge [sflag:s8], $0x80  }
0xde: {  	[sflag:s8] =	ssyncset.done $0x0  }
0xdf: {  	[sflag:s8] =	ssyncadd.s32 $0xFFFFFF80  }
0xe0: {  	_ =	swait.ge [sflag:s8], $0x80  }
0xe1: {  	[sflag:s8] =	ssyncset.done $0x0  }
0xe2: {  	[sflag:s8] =	ssyncadd.s32 $0xFFFFFF80  }
0xe3: {  	_ =	swait.ge [sflag:s8], $0x80  }
0xe4: {  	[sflag:s8] =	ssyncset.done $0x0  }
0xe5: {  	[sflag:s8] =	ssyncadd.s32 $0xFFFFFF80  }
0xe6: {  	_ =	swait.ge [sflag:s8], $0x80  }
0xe7: {  	[sflag:s8] =	ssyncset.done $0x0  }
0xe8: {  	p1 =	sne.s32 s13, $0x7F;
	[sflag:s8] =	ssyncadd.s32 $0xFFFFFF80  }
.Ltmp0:
0xe9: {  	_ =	swait.ge [sflag:s8], $0x80;
	(pc) =	sbr.rel @p1 .LBB2_2-.Ltmp0, $4  }
0xea: {  	[sflag:s8] =	ssyncset.done $0x0  }
0xeb: {  	[sflag:s8] =	ssyncadd.s32 $0xFFFFFF80  }
0xec: {  	_ =	swait.ge [sflag:s8], $0x80  }
0xed: {  	s13 =	sadd.s32 $0x1, s13;
	s14 =	rddreg [dreg:$0x4];
	[sflag:s8] =	ssyncset.done $0x0  }
0xee: {  	s13 =	sshrl.u32 s12, $0x3  }
0xef: {  	s13 =	sadd.s32 s14, s13  }
0xf0: {  	s14 =	ssub.s32 $0x200, s13  }
0xf1: {  	s15 =	sshll.u32 s14, $0x3  }
0xf2: {  	s31 =	sand.u32 $0x7, s12;
	s15 =	sand.u32 $0x38, s15  }
0xf3: {  	s15 =	sor.u32 s31, s15  }
0xf4: {  	s15 =	smul.u32 $0x14000, s15;
	_ =	sdelay $0x1  }
0xf5: {  	s12 =	sshll.u32 s31, $0xB;
	s15 =	sshrl.u32 s15, $0x2  }
0xf6: {  	s13 =	sshll.u32 s13, $0xE;
	s14 =	sand.u32 $0x3F8, s14;
	s15 =	sadd.s32 s15, s2  }
0xf7: {  	s12 =	sor.u32 s12, s13;
	s13 =	sadd.s32 s14, s15  }
0xf8: {  	[sflag:s8] =	ssyncadd.s32 $0xFFFFFF80;
	s16 =	sadd.s32 s1, s12;
	s15 =	sshrl.u32 s13, $0x3  }
0xf9: {  	[hbm:s16@s9], [sflag:s7] =	dma.strided [spmem:s15@s10], $0x80, s8, $0x10   }
0xfa: {  	s17 =	sadd.s32 $0x80, s13;
	s14 =	rddreg [dreg:$0x5]  }
0xfb: {  	s15 =	sshrl.u32 s17, $0x3;
	s14 =	sadd.s32 s12, s14  }
0xfc: {  	[hbm:s14@s9], [sflag:s7] =	dma.strided [spmem:s15@s10], $0x80, s8, $0x10   }
0xfd: {  	s18 =	sadd.s32 $0x100, s13;
	s14 =	rddreg [dreg:$0x6]  }
0xfe: {  	s15 =	sshrl.u32 s18, $0x3;
	s14 =	sadd.s32 s12, s14  }
0xff: {  	[hbm:s14@s9], [sflag:s7] =	dma.strided [spmem:s15@s10], $0x80, s8, $0x10   }
0x100: {  	s19 =	sadd.s32 $0x180, s13;
	s14 =	rddreg [dreg:$0x7]  }
0x101: {  	s15 =	sshrl.u32 s19, $0x3;
	s14 =	sadd.s32 s12, s14  }
0x102: {  	[hbm:s14@s9], [sflag:s7] =	dma.strided [spmem:s15@s10], $0x80, s8, $0x10   }
0x103: {  	s20 =	sadd.s32 $0x200, s13;
	s14 =	rddreg [dreg:$0x8]  }
0x104: {  	s15 =	sshrl.u32 s20, $0x3;
	s14 =	sadd.s32 s12, s14  }
0x105: {  	[hbm:s14@s9], [sflag:s7] =	dma.strided [spmem:s15@s10], $0x80, s8, $0x10   }
0x106: {  	s21 =	sadd.s32 $0x280, s13;
	s14 =	rddreg [dreg:$0x9]  }
0x107: {  	s15 =	sshrl.u32 s21, $0x3;
	s14 =	sadd.s32 s12, s14  }
0x108: {  	[hbm:s14@s9], [sflag:s7] =	dma.strided [spmem:s15@s10], $0x80, s8, $0x10   }
0x109: {  	s22 =	sadd.s32 $0x300, s13;
	s14 =	rddreg [dreg:$0xa]  }
0x10a: {  	s15 =	sshrl.u32 s22, $0x3;
	s14 =	sadd.s32 s12, s14  }
0x10b: {  	[hbm:s14@s9], [sflag:s7] =	dma.strided [spmem:s15@s10], $0x80, s8, $0x10   }
0x10c: {  	s23 =	sadd.s32 $0x380, s13;
	s14 =	rddreg [dreg:$0xb]  }
0x10d: {  	s15 =	sshrl.u32 s23, $0x3;
	s14 =	sadd.s32 s12, s14  }
0x10e: {  	[hbm:s14@s9], [sflag:s7] =	dma.strided [spmem:s15@s10], $0x80, s8, $0x10   }
0x10f: {  	s24 =	sadd.s32 $0x400, s13;
	s14 =	rddreg [dreg:$0xc]  }
0x110: {  	s15 =	sshrl.u32 s24, $0x3;
	s14 =	sadd.s32 s12, s14  }
0x111: {  	[hbm:s14@s9], [sflag:s7] =	dma.strided [spmem:s15@s10], $0x80, s8, $0x10   }
0x112: {  	s25 =	sadd.s32 $0x480, s13;
	s14 =	rddreg [dreg:$0xd]  }
0x113: {  	s15 =	sshrl.u32 s25, $0x3;
	s14 =	sadd.s32 s12, s14  }
0x114: {  	[hbm:s14@s9], [sflag:s7] =	dma.strided [spmem:s15@s10], $0x80, s8, $0x10   }
0x115: {  	s26 =	sadd.s32 $0x500, s13;
	s14 =	rddreg [dreg:$0xe]  }
0x116: {  	s15 =	sshrl.u32 s26, $0x3;
	s14 =	sadd.s32 s12, s14  }
0x117: {  	[hbm:s14@s9], [sflag:s7] =	dma.strided [spmem:s15@s10], $0x80, s8, $0x10   }
0x118: {  	s28 =	sadd.s32 $0x580, s13;
	s14 =	rddreg [dreg:$0xf]  }
0x119: {  	s15 =	sshrl.u32 s28, $0x3;
	s14 =	sadd.s32 s12, s14  }
0x11a: {  	[hbm:s14@s9], [sflag:s7] =	dma.strided [spmem:s15@s10], $0x80, s8, $0x10   }
0x11b: {  	s29 =	sadd.s32 $0x600, s13;
	s14 =	rddreg [dreg:$0x10]  }
0x11c: {  	s15 =	sshrl.u32 s29, $0x3;
	s14 =	sadd.s32 s12, s14  }
0x11d: {  	[hbm:s14@s9], [sflag:s7] =	dma.strided [spmem:s15@s10], $0x80, s8, $0x10   }
0x11e: {  	s30 =	sadd.s32 $0x680, s13;
	s14 =	rddreg [dreg:$0x11]  }
0x11f: {  	s15 =	sshrl.u32 s30, $0x3;
	s14 =	sadd.s32 s12, s14  }
0x120: {  	[hbm:s14@s9], [sflag:s7] =	dma.strided [spmem:s15@s10], $0x80, s8, $0x10   }
0x121: {  	s31 =	sadd.s32 $0x700, s13;
	s14 =	rddreg [dreg:$0x12]  }
0x122: {  	s15 =	sshrl.u32 s31, $0x3;
	s14 =	sadd.s32 s12, s14  }
0x123: {  	[hbm:s14@s9], [sflag:s7] =	dma.strided [spmem:s15@s10], $0x80, s8, $0x10   }
0x124: {  	s13 =	sadd.s32 $0x780, s13;
	s14 =	rddreg [dreg:$0x13]  }
0x125: {  	s13 =	sshrl.u32 s13, $0x3;
	s12 =	sadd.s32 s12, s14  }
0x126: {  	[hbm:s12@s9], [sflag:s7] =	dma.strided [spmem:s13@s10], $0x80, s8, $0x10   }
0x127: {  	_ =	swait.ge [sflag:s8], $0x80  }
0x128: {  	[sflag:s8] =	ssyncset.done $0x0  }
0x129: {  	[sflag:s8] =	ssyncadd.s32 $0xFFFFFF80  }
0x12a: {  	_ =	swait.ge [sflag:s8], $0x80  }
0x12b: {  	[sflag:s8] =	ssyncset.done $0x0  }
0x12c: {  	[sflag:s8] =	ssyncadd.s32 $0xFFFFFF80  }
0x12d: {  	_ =	swait.ge [sflag:s8], $0x80  }
0x12e: {  	[sflag:s8] =	ssyncset.done $0x0  }
0x12f: {  	[sflag:s8] =	ssyncadd.s32 $0xFFFFFF80  }
0x130: {  	_ =	swait.ge [sflag:s8], $0x80  }
0x131: {  	[sflag:s8] =	ssyncset.done $0x0  }
0x132: {  	[sflag:s8] =	ssyncadd.s32 $0xFFFFFF80  }
0x133: {  	_ =	swait.ge [sflag:s8], $0x80  }
0x134: {  	[sflag:s8] =	ssyncset.done $0x0  }
0x135: {  	[sflag:s8] =	ssyncadd.s32 $0xFFFFFF80  }
0x136: {  	_ =	swait.ge [sflag:s8], $0x80  }
0x137: {  	[sflag:s8] =	ssyncset.done $0x0  }
0x138: {  	[sflag:s8] =	ssyncadd.s32 $0xFFFFFF80  }
0x139: {  	_ =	swait.ge [sflag:s8], $0x80  }
0x13a: {  	[sflag:s8] =	ssyncset.done $0x0  }
0x13b: {  	[sflag:s8] =	ssyncadd.s32 $0xFFFFFF80  }
0x13c: {  	_ =	swait.ge [sflag:s8], $0x80  }
0x13d: {  	[sflag:s8] =	ssyncset.done $0x0  }
0x13e: {  	[sflag:s8] =	ssyncadd.s32 $0xFFFFFF80  }
0x13f: {  	_ =	swait.ge [sflag:s8], $0x80  }
0x140: {  	[sflag:s8] =	ssyncset.done $0x0  }
0x141: {  	[sflag:s8] =	ssyncadd.s32 $0xFFFFFF80  }
0x142: {  	_ =	swait.ge [sflag:s8], $0x80  }
0x143: {  	[sflag:s8] =	ssyncset.done $0x0  }
0x144: {  	[sflag:s8] =	ssyncadd.s32 $0xFFFFFF80  }
0x145: {  	_ =	swait.ge [sflag:s8], $0x80  }
0x146: {  	[sflag:s8] =	ssyncset.done $0x0  }
0x147: {  	[sflag:s8] =	ssyncadd.s32 $0xFFFFFF80  }
0x148: {  	_ =	swait.ge [sflag:s8], $0x80  }
0x149: {  	[sflag:s8] =	ssyncset.done $0x0  }
0x14a: {  	[sflag:s8] =	ssyncadd.s32 $0xFFFFFF80  }
0x14b: {  	_ =	swait.ge [sflag:s8], $0x80  }
0x14c: {  	[sflag:s8] =	ssyncset.done $0x0  }
0x14d: {  	[sflag:s8] =	ssyncadd.s32 $0xFFFFFF80  }
0x14e: {  	_ =	swait.ge [sflag:s8], $0x80  }
0x14f: {  	[sflag:s8] =	ssyncset.done $0x0  }
0x150: {  	s11 =	sadd.s32 $0x1, s11;
	[sflag:s8] =	ssyncadd.s32 $0xFFFFFF80  }
0x151: {  	p1 =	sne.s32 s11, s5;
	_ =	swait.ge [sflag:s8], $0x80  }
.Ltmp1:
0x152: {  	[sflag:s8] =	ssyncset.done $0x0;
	(pc) =	sbr.rel @p1 .LBB2_1-.Ltmp1, $4  }
0x153: {  	[sflag:s8] =	ssyncadd.s32 $0xFFFFFF80  }
0x154: {  	_ =	swait.ge [sflag:s8], $0x80  }
0x155: {  	[sflag:s8] =	ssyncset.done $0x0  }
0x156: {  	[sflag:s8] =	ssyncadd.s32 $0xFFFFFF80  }
0x157: {  	_ =	sfence.sel $0x180000  }
0x158: {  	[bflag:$0x0] =	sbarrier.arrive $0xFFFF  }
0x159: {  	_ =	strace $0x90000047  }
0x15a: {  	s0 =	sadd.s32 @!p0 $0x100000, s0;
	[bflag:$0x2] =	sbarrier.arrive $0xFFFF  }
0x15b: {  	[sflag:s0] =	ssyncadd.tile.s32 @!p0 $0x1;
	_ =	shalt  }
.Lfunc_end2:
_tile_overlayer_lowered:
.L_overlay_start_2:
0x15c: {  	(tag) =	ssettag $0x2  }
0x15d: {  	s0 =	rddreg [dreg:$0x0];
	s2 =	stileid.u32  }
0x15e: {  	s1 =	rddreg [dreg:$0x1];
	p0 =	sne.s32 s2, $0x0  }
0x15f: {  	s3 =	rddreg [dreg:$0x2];
	[bflag:$0x3] =	sbarrier.arrive $0xFFFF;
	s2 =	simm.s32 @!p0 $0x1C02  }
0x160: {  	[timem:s3], [sflag:s2] =	dma.local @!p0 [hbm:s0], s1  }
0x161: {  	s0 =	simm.s32 @!p0 $0x2  }
0x162: {  	_ =	swait.ge @!p0 [sflag:s0], s1  }
0x163: {  	s1 =	ssub.s32 @!p0 $0x0, s1;
	[sflag:s0] =	ssyncset.done @!p0 $0x0  }
0x164: {  	[sflag:s0] =	ssyncadd.s32 @!p0 s1  }
0x165: {  	[bflag:$0x3] =	sbarrier.arrive $0xFFFF  }
0x166: {  	_ =	shalt  }

</sc_bundles>
